<compile_context>
chip_gen: v7x
topology: tpu7x:2x2x1
jax: 0.10.2.dev20260603
libtpu: 0.0.44.dev20260713+nightly
codegen_flags: <defaults>
</compile_context>

<pallas_src>
import functools

import jax
import jax.numpy as jnp
from jax import lax
from jax.experimental import pallas as pl
from jax.experimental.pallas import tpu as pltpu
from jax.experimental.pallas import tpu_sc as plsc

VOCAB = 100000
D = 300
BATCH = 4096
SEQ = 50
B_TOT = BATCH * SEQ
NC = 2
NS = 16
NW = NC * NS
B_PER_W = B_TOT // NW
CHUNK = 128
N_CHUNK = B_PER_W // CHUNK
T2_OFF = 256
T2_W = D - T2_OFF

_mesh = plsc.VectorSubcoreMesh(core_axis_name="c", subcore_axis_name="s")


@functools.partial(
    pl.kernel,
    mesh=_mesh,
    compiler_params=pltpu.CompilerParams(use_tc_tiling_on_sc=True),
    out_type=jax.ShapeDtypeStruct((B_TOT, D), jnp.float32),
    scratch_types=[
        pltpu.VMEM((N_CHUNK, CHUNK), jnp.int32),
        pltpu.VMEM((CHUNK, D), jnp.float32),
        pltpu.VMEM((CHUNK, D), jnp.float32),
        pltpu.SemaphoreType.DMA,
        pltpu.SemaphoreType.DMA,
    ],
)
def _gather_rows(table_hbm, tail_hbm, idx_hbm, out_hbm,
                 idx_v, asm_a, asm_b, sem_a, sem_b):
    wid = lax.axis_index("s") * NC + lax.axis_index("c")
    base = wid * B_PER_W
    pltpu.sync_copy(idx_hbm.at[wid], idx_v)

    def start(j, buf, sem):
        ids = idx_v.at[j]
        pltpu.async_copy(table_hbm.at[ids, pl.ds(0, 128)],
                         buf.at[:, pl.ds(0, 128)], sem)
        pltpu.async_copy(table_hbm.at[ids, pl.ds(128, 128)],
                         buf.at[:, pl.ds(128, 128)], sem)

    def finish(j, buf, sem):
        rows = pl.ds(base + j * CHUNK, CHUNK)
        ids = idx_v.at[j]
        pltpu.make_async_copy(table_hbm.at[ids, pl.ds(0, 128)],
                              buf.at[:, pl.ds(0, 128)], sem).wait()
        pltpu.make_async_copy(table_hbm.at[ids, pl.ds(128, 128)],
                              buf.at[:, pl.ds(128, 128)], sem).wait()
        pltpu.sync_copy(tail_hbm.at[rows], buf.at[:, pl.ds(T2_OFF, T2_W)])
        pltpu.sync_copy(buf, out_hbm.at[rows])

    start(0, asm_a, sem_a)

    def body(p, carry):
        j0 = 2 * p
        start(j0 + 1, asm_b, sem_b)
        finish(j0, asm_a, sem_a)

        @pl.when(p < N_CHUNK // 2 - 1)
        def _():
            start(j0 + 2, asm_a, sem_a)

        finish(j0 + 1, asm_b, sem_b)
        return carry

    lax.fori_loop(0, N_CHUNK // 2, body, 0)


def kernel(word_sequences, table):
    idx_flat = word_sequences.astype(jnp.int32).reshape(B_TOT)
    idx = idx_flat.reshape(NW, N_CHUNK, CHUNK)
    t2p = jnp.pad(lax.slice(table, (0, T2_OFF), (VOCAB, D)),
                  ((0, 0), (0, 128 - T2_W)))
    tail = lax.slice(t2p.at[idx_flat].get(mode="promise_in_bounds"),
                     (0, 0), (B_TOT, T2_W))
    out = _gather_rows(table, tail, idx)
    return out.reshape(BATCH, SEQ, D)

# --- scband reference (transcript-rebuilt; emitter-appended) ---
"""Pipeline reference for scband-fast-text-lexer-12601434046862 (READ-ONLY COPY).

The authoritative reference and input builder live on the scoring server;
editing this copy changes nothing except your own understanding.
"""

import jax, jax.numpy as jnp
import numpy as np

VOCAB = 100000
EMBED_DIM = 300
PAD_IDX = 0


def setup_inputs(seed: int = 0) -> dict:
    key = jax.random.key(seed)
    k_tab, k_idx = jax.random.split(key)
    # Frozen pretrained fastText-style embedding matrix (stand-in: random normal),
    # with the padding row zeroed as nn.Embedding.from_pretrained(padding_idx=PAD_IDX) does
    # for gradient purposes; values at padding_idx are whatever the pretrained matrix held,
    # but conventionally the PAD vector is zero, so we zero it here.
    table = jax.random.normal(k_tab, (VOCAB, EMBED_DIM), dtype=jnp.float32)
    table = table.at[PAD_IDX].set(0.0)
    word_sequences = jax.random.randint(k_idx, (4096, 50), 0, VOCAB, dtype=jnp.int64)
    return {"word_sequences": word_sequences, "table": table}


def reference(word_sequences, table):
    # nn.Embedding lookup -> gather rows; dropout(p=0.0) is identity in eval/train
    emb = jnp.take(table, word_sequences, axis=0)  # [B, L, 300]
    return emb

if __name__ == "__main__":
    import jax
    _d = setup_inputs()
    print(jax.jit(kernel)(*tuple(_d.values())))

</pallas_src>

<mosaic_0001>
#map = affine_map<(d0, d1) -> (0, 0)>
#map1 = affine_map<(d0, d1) -> (0, 0, 0)>
module attributes {stable_mosaic.version = 14 : i64} {
  func.func @_gather_rows(%arg0: i32, %arg1: i32, %arg2: memref<100000x300xf32, #tpu.memory_space<hbm>>, %arg3: memref<204800x44xf32, #tpu.memory_space<hbm>>, %arg4: memref<32x50x128xi32, #tpu.memory_space<hbm>>, %arg5: memref<204800x300xf32, #tpu.memory_space<hbm>>, %arg6: memref<50x128xi32, #tpu.memory_space<vmem>>, %arg7: memref<128x300xf32, #tpu.memory_space<vmem>>, %arg8: memref<128x300xf32, #tpu.memory_space<vmem>>, %arg9: memref<!tpu.dma_semaphore, #tpu.memory_space<semaphore_mem>>, %arg10: memref<!tpu.dma_semaphore, #tpu.memory_space<semaphore_mem>>) attributes {dimension_semantics = [#tpu.dimension_semantics<core_parallel>, #tpu.dimension_semantics<subcore_parallel>], iteration_bounds = array<i64: 2, 16>, scalar_prefetch = 0 : i64, scratch_operands = 5 : i64, tpu.core_type = #tpu.core_type<sc_vector_subcore>, window_params = [{transform_indices = #map}, {transform_indices = #map}, {transform_indices = #map1}, {transform_indices = #map}]} {
    %mul3A = arith.constant 2 : i32
    %mul3A_0 = arith.muli %arg1, %mul3A : i32
    %add3A = arith.addi %mul3A_0, %arg0 : i32
    %mul3A_1 = arith.constant 6400 : i32
    %mul3A_2 = arith.muli %add3A, %mul3A_1 : i32
    "tpu.region"() ({
      %run_scoped3A = tpu.sem_alloc : memref<!tpu.dma_semaphore, #tpu.memory_space<semaphore_mem>>
      %dma_start3A_27 = arith.constant 0 : i32
      %dma_start3A_28 = arith.constant 0 : i32
      %dma_start3A_29 = tpu.memref_slice %arg4[%add3A, %dma_start3A_27, %dma_start3A_28] : memref<32x50x128xi32, #tpu.memory_space<hbm>> -> memref<1x50x128xi32, #tpu.memory_space<hbm>>
      %dma_start3A_30 = tpu.memref_squeeze %dma_start3A_29 : memref<1x50x128xi32, #tpu.memory_space<hbm>> -> memref<50x128xi32, #tpu.memory_space<hbm>>
      %dma_start3A_31 = arith.constant 0 : i32
      %dma_start3A_32 = arith.constant 0 : i32
      %dma_start3A_33 = tpu.memref_slice %arg4[%add3A, %dma_start3A_31, %dma_start3A_32] : memref<32x50x128xi32, #tpu.memory_space<hbm>> -> memref<1x50x128xi32, #tpu.memory_space<hbm>>
      %dma_start3A_34 = tpu.memref_squeeze %dma_start3A_33 : memref<1x50x128xi32, #tpu.memory_space<hbm>> -> memref<50x128xi32, #tpu.memory_space<hbm>>
      tpu.enqueue_dma source(%dma_start3A_34 : memref<50x128xi32, #tpu.memory_space<hbm>>) target(%arg6 : memref<50x128xi32, #tpu.memory_space<vmem>>) target_semaphore(%run_scoped3A : memref<!tpu.dma_semaphore, #tpu.memory_space<semaphore_mem>>)
      %dma_wait3A = arith.constant 0 : i32
      %dma_wait3A_35 = arith.constant 0 : i32
      %dma_wait3A_36 = tpu.memref_slice %arg4[%add3A, %dma_wait3A, %dma_wait3A_35] : memref<32x50x128xi32, #tpu.memory_space<hbm>> -> memref<1x50x128xi32, #tpu.memory_space<hbm>>
      %dma_wait3A_37 = tpu.memref_squeeze %dma_wait3A_36 : memref<1x50x128xi32, #tpu.memory_space<hbm>> -> memref<50x128xi32, #tpu.memory_space<hbm>>
      %dma_wait3A_38 = arith.constant 0 : i32
      %dma_wait3A_39 = arith.constant 0 : i32
      %dma_wait3A_40 = tpu.memref_slice %arg4[%add3A, %dma_wait3A_38, %dma_wait3A_39] : memref<32x50x128xi32, #tpu.memory_space<hbm>> -> memref<1x50x128xi32, #tpu.memory_space<hbm>>
      %dma_wait3A_41 = tpu.memref_squeeze %dma_wait3A_40 : memref<1x50x128xi32, #tpu.memory_space<hbm>> -> memref<50x128xi32, #tpu.memory_space<hbm>>
      tpu.wait_dma2 semaphore(%run_scoped3A : memref<!tpu.dma_semaphore, #tpu.memory_space<semaphore_mem>>) src(%dma_wait3A_41 : memref<50x128xi32, #tpu.memory_space<hbm>>) dst(%arg6 : memref<50x128xi32, #tpu.memory_space<vmem>>)
      tpu.yield
    }) : () -> ()
    %dma_start3A = arith.constant 0 : i32
    %dma_start3A_3 = arith.constant 0 : i32
    %dma_start3A_4 = arith.constant 0 : i32
    %dma_start3A_5 = tpu.memref_slice %arg7[%dma_start3A_3, %dma_start3A_4] : memref<128x300xf32, #tpu.memory_space<vmem>> -> memref<128x128xf32, #tpu.memory_space<vmem>>
    %dma_start3A_6 = arith.constant 0 : i32
    %dma_start3A_7 = tpu.memref_slice %arg6[%dma_start3A, %dma_start3A_6] : memref<50x128xi32, #tpu.memory_space<vmem>> -> memref<1x128xi32, #tpu.memory_space<vmem>>
    %dma_start3A_8 = tpu.memref_squeeze %dma_start3A_7 : memref<1x128xi32, #tpu.memory_space<vmem>> -> memref<128xi32, #tpu.memory_space<vmem>>
    %dma_start3A_9 = arith.constant 0 : i32
    %dma_start3A_10 = arith.constant 0 : i32
    %dma_start3A_11 = tpu.memref_slice %arg2[%dma_start3A_9, %dma_start3A_10] : memref<100000x300xf32, #tpu.memory_space<hbm>> -> memref<100000x128xf32, #tpu.memory_space<hbm>>
    tpu.enqueue_indirect_dma source(%dma_start3A_11 : memref<100000x128xf32, #tpu.memory_space<hbm>>) target(%dma_start3A_5 : memref<128x128xf32, #tpu.memory_space<vmem>>) offsets(%dma_start3A_8 : memref<128xi32, #tpu.memory_space<vmem>>) semaphore(%arg9 : memref<!tpu.dma_semaphore, #tpu.memory_space<semaphore_mem>>)
    %dma_start3A_12 = arith.constant 0 : i32
    %dma_start3A_13 = arith.constant 0 : i32
    %dma_start3A_14 = arith.constant 128 : i32
    %dma_start3A_15 = tpu.memref_slice %arg7[%dma_start3A_13, %dma_start3A_14] : memref<128x300xf32, #tpu.memory_space<vmem>> -> memref<128x128xf32, #tpu.memory_space<vmem>>
    %dma_start3A_16 = arith.constant 0 : i32
    %dma_start3A_17 = tpu.memref_slice %arg6[%dma_start3A_12, %dma_start3A_16] : memref<50x128xi32, #tpu.memory_space<vmem>> -> memref<1x128xi32, #tpu.memory_space<vmem>>
    %dma_start3A_18 = tpu.memref_squeeze %dma_start3A_17 : memref<1x128xi32, #tpu.memory_space<vmem>> -> memref<128xi32, #tpu.memory_space<vmem>>
    %dma_start3A_19 = arith.constant 0 : i32
    %dma_start3A_20 = arith.constant 128 : i32
    %dma_start3A_21 = tpu.memref_slice %arg2[%dma_start3A_19, %dma_start3A_20] : memref<100000x300xf32, #tpu.memory_space<hbm>> -> memref<100000x128xf32, #tpu.memory_space<hbm>>
    tpu.enqueue_indirect_dma source(%dma_start3A_21 : memref<100000x128xf32, #tpu.memory_space<hbm>>) target(%dma_start3A_15 : memref<128x128xf32, #tpu.memory_space<vmem>>) offsets(%dma_start3A_18 : memref<128xi32, #tpu.memory_space<vmem>>) semaphore(%arg9 : memref<!tpu.dma_semaphore, #tpu.memory_space<semaphore_mem>>)
    %scan3A = arith.constant 0 : i32
    %scan3A_22 = arith.constant 0 : i32
    %scan3A_23 = arith.constant 25 : i32
    %scan3A_24 = arith.addi %scan3A_22, %scan3A_23 : i32
    %scan3A_25 = arith.constant 1 : i32
    scf.for %scan3A_27 = %scan3A_22 to %scan3A_24 step %scan3A_25  : i32 {
      %mul3A_28 = arith.constant 2 : i32
      %mul3A_29 = arith.muli %mul3A_28, %scan3A_27 : i32
      %add3A_30 = arith.constant 1 : i32
      %add3A_31 = arith.addi %mul3A_29, %add3A_30 : i32
      %dma_start3A_32 = arith.constant 0 : i32
      %dma_start3A_33 = arith.constant 0 : i32
      %dma_start3A_34 = tpu.memref_slice %arg8[%dma_start3A_32, %dma_start3A_33] : memref<128x300xf32, #tpu.memory_space<vmem>> -> memref<128x128xf32, #tpu.memory_space<vmem>>
      %dma_start3A_35 = arith.constant 0 : i32
      %dma_start3A_36 = tpu.memref_slice %arg6[%add3A_31, %dma_start3A_35] : memref<50x128xi32, #tpu.memory_space<vmem>> -> memref<1x128xi32, #tpu.memory_space<vmem>>
      %dma_start3A_37 = tpu.memref_squeeze %dma_start3A_36 : memref<1x128xi32, #tpu.memory_space<vmem>> -> memref<128xi32, #tpu.memory_space<vmem>>
      %dma_start3A_38 = arith.constant 0 : i32
      %dma_start3A_39 = arith.constant 0 : i32
      %dma_start3A_40 = tpu.memref_slice %arg2[%dma_start3A_38, %dma_start3A_39] : memref<100000x300xf32, #tpu.memory_space<hbm>> -> memref<100000x128xf32, #tpu.memory_space<hbm>>
      tpu.enqueue_indirect_dma source(%dma_start3A_40 : memref<100000x128xf32, #tpu.memory_space<hbm>>) target(%dma_start3A_34 : memref<128x128xf32, #tpu.memory_space<vmem>>) offsets(%dma_start3A_37 : memref<128xi32, #tpu.memory_space<vmem>>) semaphore(%arg10 : memref<!tpu.dma_semaphore, #tpu.memory_space<semaphore_mem>>)
      %dma_start3A_41 = arith.constant 0 : i32
      %dma_start3A_42 = arith.constant 128 : i32
      %dma_start3A_43 = tpu.memref_slice %arg8[%dma_start3A_41, %dma_start3A_42] : memref<128x300xf32, #tpu.memory_space<vmem>> -> memref<128x128xf32, #tpu.memory_space<vmem>>
      %dma_start3A_44 = arith.constant 0 : i32
      %dma_start3A_45 = tpu.memref_slice %arg6[%add3A_31, %dma_start3A_44] : memref<50x128xi32, #tpu.memory_space<vmem>> -> memref<1x128xi32, #tpu.memory_space<vmem>>
      %dma_start3A_46 = tpu.memref_squeeze %dma_start3A_45 : memref<1x128xi32, #tpu.memory_space<vmem>> -> memref<128xi32, #tpu.memory_space<vmem>>
      %dma_start3A_47 = arith.constant 0 : i32
      %dma_start3A_48 = arith.constant 128 : i32
      %dma_start3A_49 = tpu.memref_slice %arg2[%dma_start3A_47, %dma_start3A_48] : memref<100000x300xf32, #tpu.memory_space<hbm>> -> memref<100000x128xf32, #tpu.memory_space<hbm>>
      tpu.enqueue_indirect_dma source(%dma_start3A_49 : memref<100000x128xf32, #tpu.memory_space<hbm>>) target(%dma_start3A_43 : memref<128x128xf32, #tpu.memory_space<vmem>>) offsets(%dma_start3A_46 : memref<128xi32, #tpu.memory_space<vmem>>) semaphore(%arg10 : memref<!tpu.dma_semaphore, #tpu.memory_space<semaphore_mem>>)
      %mul3A_50 = arith.constant 128 : i32
      %mul3A_51 = arith.muli %mul3A_29, %mul3A_50 : i32
      %add3A_52 = arith.addi %mul3A_2, %mul3A_51 : i32
      %dma_wait3A = arith.constant 0 : i32
      %dma_wait3A_53 = arith.constant 0 : i32
      %dma_wait3A_54 = tpu.memref_slice %arg7[%dma_wait3A, %dma_wait3A_53] : memref<128x300xf32, #tpu.memory_space<vmem>> -> memref<128x128xf32, #tpu.memory_space<vmem>>
      %dma_wait3A_55 = arith.constant 0 : i32
      %dma_wait3A_56 = tpu.memref_slice %arg6[%mul3A_29, %dma_wait3A_55] : memref<50x128xi32, #tpu.memory_space<vmem>> -> memref<1x128xi32, #tpu.memory_space<vmem>>
      %dma_wait3A_57 = tpu.memref_squeeze %dma_wait3A_56 : memref<1x128xi32, #tpu.memory_space<vmem>> -> memref<128xi32, #tpu.memory_space<vmem>>
      %dma_wait3A_58 = arith.constant 0 : i32
      %dma_wait3A_59 = arith.constant 0 : i32
      %dma_wait3A_60 = tpu.memref_slice %arg2[%dma_wait3A_58, %dma_wait3A_59] : memref<100000x300xf32, #tpu.memory_space<hbm>> -> memref<100000x128xf32, #tpu.memory_space<hbm>>
      tpu.wait_indirect_dma semaphore(%arg9 : memref<!tpu.dma_semaphore, #tpu.memory_space<semaphore_mem>>) src(%dma_wait3A_60 : memref<100000x128xf32, #tpu.memory_space<hbm>>) dst(%dma_wait3A_54 : memref<128x128xf32, #tpu.memory_space<vmem>>)
      %dma_wait3A_61 = arith.constant 0 : i32
      %dma_wait3A_62 = arith.constant 128 : i32
      %dma_wait3A_63 = tpu.memref_slice %arg7[%dma_wait3A_61, %dma_wait3A_62] : memref<128x300xf32, #tpu.memory_space<vmem>> -> memref<128x128xf32, #tpu.memory_space<vmem>>
      %dma_wait3A_64 = arith.constant 0 : i32
      %dma_wait3A_65 = tpu.memref_slice %arg6[%mul3A_29, %dma_wait3A_64] : memref<50x128xi32, #tpu.memory_space<vmem>> -> memref<1x128xi32, #tpu.memory_space<vmem>>
      %dma_wait3A_66 = tpu.memref_squeeze %dma_wait3A_65 : memref<1x128xi32, #tpu.memory_space<vmem>> -> memref<128xi32, #tpu.memory_space<vmem>>
      %dma_wait3A_67 = arith.constant 0 : i32
      %dma_wait3A_68 = arith.constant 128 : i32
      %dma_wait3A_69 = tpu.memref_slice %arg2[%dma_wait3A_67, %dma_wait3A_68] : memref<100000x300xf32, #tpu.memory_space<hbm>> -> memref<100000x128xf32, #tpu.memory_space<hbm>>
      tpu.wait_indirect_dma semaphore(%arg9 : memref<!tpu.dma_semaphore, #tpu.memory_space<semaphore_mem>>) src(%dma_wait3A_69 : memref<100000x128xf32, #tpu.memory_space<hbm>>) dst(%dma_wait3A_63 : memref<128x128xf32, #tpu.memory_space<vmem>>)
      "tpu.region"() ({
        %run_scoped3A = tpu.sem_alloc : memref<!tpu.dma_semaphore, #tpu.memory_space<semaphore_mem>>
        %dma_start3A_95 = arith.constant 0 : i32
        %dma_start3A_96 = arith.constant 256 : i32
        %dma_start3A_97 = tpu.memref_slice %arg7[%dma_start3A_95, %dma_start3A_96] : memref<128x300xf32, #tpu.memory_space<vmem>> -> memref<128x44xf32, #tpu.memory_space<vmem>>
        %dma_start3A_98 = arith.constant 0 : i32
        %dma_start3A_99 = tpu.memref_slice %arg3[%add3A_52, %dma_start3A_98] : memref<204800x44xf32, #tpu.memory_space<hbm>> -> memref<128x44xf32, #tpu.memory_space<hbm>>
        %dma_start3A_100 = arith.constant 0 : i32
        %dma_start3A_101 = arith.constant 256 : i32
        %dma_start3A_102 = tpu.memref_slice %arg7[%dma_start3A_100, %dma_start3A_101] : memref<128x300xf32, #tpu.memory_space<vmem>> -> memref<128x44xf32, #tpu.memory_space<vmem>>
        %dma_start3A_103 = arith.constant 0 : i32
        %dma_start3A_104 = tpu.memref_slice %arg3[%add3A_52, %dma_start3A_103] : memref<204800x44xf32, #tpu.memory_space<hbm>> -> memref<128x44xf32, #tpu.memory_space<hbm>>
        tpu.enqueue_dma source(%dma_start3A_104 : memref<128x44xf32, #tpu.memory_space<hbm>>) target(%dma_start3A_102 : memref<128x44xf32, #tpu.memory_space<vmem>>) target_semaphore(%run_scoped3A : memref<!tpu.dma_semaphore, #tpu.memory_space<semaphore_mem>>)
        %dma_wait3A_105 = arith.constant 0 : i32
        %dma_wait3A_106 = arith.constant 256 : i32
        %dma_wait3A_107 = tpu.memref_slice %arg7[%dma_wait3A_105, %dma_wait3A_106] : memref<128x300xf32, #tpu.memory_space<vmem>> -> memref<128x44xf32, #tpu.memory_space<vmem>>
        %dma_wait3A_108 = arith.constant 0 : i32
        %dma_wait3A_109 = tpu.memref_slice %arg3[%add3A_52, %dma_wait3A_108] : memref<204800x44xf32, #tpu.memory_space<hbm>> -> memref<128x44xf32, #tpu.memory_space<hbm>>
        %dma_wait3A_110 = arith.constant 0 : i32
        %dma_wait3A_111 = arith.constant 256 : i32
        %dma_wait3A_112 = tpu.memref_slice %arg7[%dma_wait3A_110, %dma_wait3A_111] : memref<128x300xf32, #tpu.memory_space<vmem>> -> memref<128x44xf32, #tpu.memory_space<vmem>>
        %dma_wait3A_113 = arith.constant 0 : i32
        %dma_wait3A_114 = tpu.memref_slice %arg3[%add3A_52, %dma_wait3A_113] : memref<204800x44xf32, #tpu.memory_space<hbm>> -> memref<128x44xf32, #tpu.memory_space<hbm>>
        tpu.wait_dma2 semaphore(%run_scoped3A : memref<!tpu.dma_semaphore, #tpu.memory_space<semaphore_mem>>) src(%dma_wait3A_114 : memref<128x44xf32, #tpu.memory_space<hbm>>) dst(%dma_wait3A_112 : memref<128x44xf32, #tpu.memory_space<vmem>>)
        tpu.yield
      }) : () -> ()
      "tpu.region"() ({
        %run_scoped3A = tpu.sem_alloc : memref<!tpu.dma_semaphore, #tpu.memory_space<semaphore_mem>>
        %dma_start3A_95 = arith.constant 0 : i32
        %dma_start3A_96 = tpu.memref_slice %arg5[%add3A_52, %dma_start3A_95] : memref<204800x300xf32, #tpu.memory_space<hbm>> -> memref<128x300xf32, #tpu.memory_space<hbm>>
        %dma_start3A_97 = arith.constant 0 : i32
        %dma_start3A_98 = tpu.memref_slice %arg5[%add3A_52, %dma_start3A_97] : memref<204800x300xf32, #tpu.memory_space<hbm>> -> memref<128x300xf32, #tpu.memory_space<hbm>>
        tpu.enqueue_dma source(%arg7 : memref<128x300xf32, #tpu.memory_space<vmem>>) target(%dma_start3A_98 : memref<128x300xf32, #tpu.memory_space<hbm>>) target_semaphore(%run_scoped3A : memref<!tpu.dma_semaphore, #tpu.memory_space<semaphore_mem>>)
        %dma_wait3A_99 = arith.constant 0 : i32
        %dma_wait3A_100 = tpu.memref_slice %arg5[%add3A_52, %dma_wait3A_99] : memref<204800x300xf32, #tpu.memory_space<hbm>> -> memref<128x300xf32, #tpu.memory_space<hbm>>
        %dma_wait3A_101 = arith.constant 0 : i32
        %dma_wait3A_102 = tpu.memref_slice %arg5[%add3A_52, %dma_wait3A_101] : memref<204800x300xf32, #tpu.memory_space<hbm>> -> memref<128x300xf32, #tpu.memory_space<hbm>>
        tpu.wait_dma2 semaphore(%run_scoped3A : memref<!tpu.dma_semaphore, #tpu.memory_space<semaphore_mem>>) src(%arg7 : memref<128x300xf32, #tpu.memory_space<vmem>>) dst(%dma_wait3A_102 : memref<128x300xf32, #tpu.memory_space<hbm>>)
        tpu.yield
      }) : () -> ()
      %lt3A = arith.constant 24 : i32
      %lt3A_70 = arith.cmpi slt, %scan3A_27, %lt3A : i32
      %convert_element_type3A = arith.extui %lt3A_70 : i1 to i32
      %cond3A = arith.constant 0 : i32
      %cond3A_71 = arith.cmpi ne, %convert_element_type3A, %cond3A : i32
      scf.if %cond3A_71 {
        %add3A_95 = arith.constant 2 : i32
        %add3A_96 = arith.addi %mul3A_29, %add3A_95 : i32
        %dma_start3A_97 = arith.constant 0 : i32
        %dma_start3A_98 = arith.constant 0 : i32
        %dma_start3A_99 = tpu.memref_slice %arg7[%dma_start3A_97, %dma_start3A_98] : memref<128x300xf32, #tpu.memory_space<vmem>> -> memref<128x128xf32, #tpu.memory_space<vmem>>
        %dma_start3A_100 = arith.constant 0 : i32
        %dma_start3A_101 = tpu.memref_slice %arg6[%add3A_96, %dma_start3A_100] : memref<50x128xi32, #tpu.memory_space<vmem>> -> memref<1x128xi32, #tpu.memory_space<vmem>>
        %dma_start3A_102 = tpu.memref_squeeze %dma_start3A_101 : memref<1x128xi32, #tpu.memory_space<vmem>> -> memref<128xi32, #tpu.memory_space<vmem>>
        %dma_start3A_103 = arith.constant 0 : i32
        %dma_start3A_104 = arith.constant 0 : i32
        %dma_start3A_105 = tpu.memref_slice %arg2[%dma_start3A_103, %dma_start3A_104] : memref<100000x300xf32, #tpu.memory_space<hbm>> -> memref<100000x128xf32, #tpu.memory_space<hbm>>
        tpu.enqueue_indirect_dma source(%dma_start3A_105 : memref<100000x128xf32, #tpu.memory_space<hbm>>) target(%dma_start3A_99 : memref<128x128xf32, #tpu.memory_space<vmem>>) offsets(%dma_start3A_102 : memref<128xi32, #tpu.memory_space<vmem>>) semaphore(%arg9 : memref<!tpu.dma_semaphore, #tpu.memory_space<semaphore_mem>>)
        %dma_start3A_106 = arith.constant 0 : i32
        %dma_start3A_107 = arith.constant 128 : i32
        %dma_start3A_108 = tpu.memref_slice %arg7[%dma_start3A_106, %dma_start3A_107] : memref<128x300xf32, #tpu.memory_space<vmem>> -> memref<128x128xf32, #tpu.memory_space<vmem>>
        %dma_start3A_109 = arith.constant 0 : i32
        %dma_start3A_110 = tpu.memref_slice %arg6[%add3A_96, %dma_start3A_109] : memref<50x128xi32, #tpu.memory_space<vmem>> -> memref<1x128xi32, #tpu.memory_space<vmem>>
        %dma_start3A_111 = tpu.memref_squeeze %dma_start3A_110 : memref<1x128xi32, #tpu.memory_space<vmem>> -> memref<128xi32, #tpu.memory_space<vmem>>
        %dma_start3A_112 = arith.constant 0 : i32
        %dma_start3A_113 = arith.constant 128 : i32
        %dma_start3A_114 = tpu.memref_slice %arg2[%dma_start3A_112, %dma_start3A_113] : memref<100000x300xf32, #tpu.memory_space<hbm>> -> memref<100000x128xf32, #tpu.memory_space<hbm>>
        tpu.enqueue_indirect_dma source(%dma_start3A_114 : memref<100000x128xf32, #tpu.memory_space<hbm>>) target(%dma_start3A_108 : memref<128x128xf32, #tpu.memory_space<vmem>>) offsets(%dma_start3A_111 : memref<128xi32, #tpu.memory_space<vmem>>) semaphore(%arg9 : memref<!tpu.dma_semaphore, #tpu.memory_space<semaphore_mem>>)
      } else {
      }
      %add3A_72 = arith.constant 1 : i32
      %add3A_73 = arith.addi %mul3A_29, %add3A_72 : i32
      %mul3A_74 = arith.constant 128 : i32
      %mul3A_75 = arith.muli %add3A_73, %mul3A_74 : i32
      %add3A_76 = arith.addi %mul3A_2, %mul3A_75 : i32
      %dma_wait3A_77 = arith.constant 0 : i32
      %dma_wait3A_78 = arith.constant 0 : i32
      %dma_wait3A_79 = tpu.memref_slice %arg8[%dma_wait3A_77, %dma_wait3A_78] : memref<128x300xf32, #tpu.memory_space<vmem>> -> memref<128x128xf32, #tpu.memory_space<vmem>>
      %dma_wait3A_80 = arith.constant 0 : i32
      %dma_wait3A_81 = tpu.memref_slice %arg6[%add3A_73, %dma_wait3A_80] : memref<50x128xi32, #tpu.memory_space<vmem>> -> memref<1x128xi32, #tpu.memory_space<vmem>>
      %dma_wait3A_82 = tpu.memref_squeeze %dma_wait3A_81 : memref<1x128xi32, #tpu.memory_space<vmem>> -> memref<128xi32, #tpu.memory_space<vmem>>
      %dma_wait3A_83 = arith.constant 0 : i32
      %dma_wait3A_84 = arith.constant 0 : i32
      %dma_wait3A_85 = tpu.memref_slice %arg2[%dma_wait3A_83, %dma_wait3A_84] : memref<100000x300xf32, #tpu.memory_space<hbm>> -> memref<100000x128xf32, #tpu.memory_space<hbm>>
      tpu.wait_indirect_dma semaphore(%arg10 : memref<!tpu.dma_semaphore, #tpu.memory_space<semaphore_mem>>) src(%dma_wait3A_85 : memref<100000x128xf32, #tpu.memory_space<hbm>>) dst(%dma_wait3A_79 : memref<128x128xf32, #tpu.memory_space<vmem>>)
      %dma_wait3A_86 = arith.constant 0 : i32
      %dma_wait3A_87 = arith.constant 128 : i32
      %dma_wait3A_88 = tpu.memref_slice %arg8[%dma_wait3A_86, %dma_wait3A_87] : memref<128x300xf32, #tpu.memory_space<vmem>> -> memref<128x128xf32, #tpu.memory_space<vmem>>
      %dma_wait3A_89 = arith.constant 0 : i32
      %dma_wait3A_90 = tpu.memref_slice %arg6[%add3A_73, %dma_wait3A_89] : memref<50x128xi32, #tpu.memory_space<vmem>> -> memref<1x128xi32, #tpu.memory_space<vmem>>
      %dma_wait3A_91 = tpu.memref_squeeze %dma_wait3A_90 : memref<1x128xi32, #tpu.memory_space<vmem>> -> memref<128xi32, #tpu.memory_space<vmem>>
      %dma_wait3A_92 = arith.constant 0 : i32
      %dma_wait3A_93 = arith.constant 128 : i32
      %dma_wait3A_94 = tpu.memref_slice %arg2[%dma_wait3A_92, %dma_wait3A_93] : memref<100000x300xf32, #tpu.memory_space<hbm>> -> memref<100000x128xf32, #tpu.memory_space<hbm>>
      tpu.wait_indirect_dma semaphore(%arg10 : memref<!tpu.dma_semaphore, #tpu.memory_space<semaphore_mem>>) src(%dma_wait3A_94 : memref<100000x128xf32, #tpu.memory_space<hbm>>) dst(%dma_wait3A_88 : memref<128x128xf32, #tpu.memory_space<vmem>>)
      "tpu.region"() ({
        %run_scoped3A = tpu.sem_alloc : memref<!tpu.dma_semaphore, #tpu.memory_space<semaphore_mem>>
        %dma_start3A_95 = arith.constant 0 : i32
        %dma_start3A_96 = arith.constant 256 : i32
        %dma_start3A_97 = tpu.memref_slice %arg8[%dma_start3A_95, %dma_start3A_96] : memref<128x300xf32, #tpu.memory_space<vmem>> -> memref<128x44xf32, #tpu.memory_space<vmem>>
        %dma_start3A_98 = arith.constant 0 : i32
        %dma_start3A_99 = tpu.memref_slice %arg3[%add3A_76, %dma_start3A_98] : memref<204800x44xf32, #tpu.memory_space<hbm>> -> memref<128x44xf32, #tpu.memory_space<hbm>>
        %dma_start3A_100 = arith.constant 0 : i32
        %dma_start3A_101 = arith.constant 256 : i32
        %dma_start3A_102 = tpu.memref_slice %arg8[%dma_start3A_100, %dma_start3A_101] : memref<128x300xf32, #tpu.memory_space<vmem>> -> memref<128x44xf32, #tpu.memory_space<vmem>>
        %dma_start3A_103 = arith.constant 0 : i32
        %dma_start3A_104 = tpu.memref_slice %arg3[%add3A_76, %dma_start3A_103] : memref<204800x44xf32, #tpu.memory_space<hbm>> -> memref<128x44xf32, #tpu.memory_space<hbm>>
        tpu.enqueue_dma source(%dma_start3A_104 : memref<128x44xf32, #tpu.memory_space<hbm>>) target(%dma_start3A_102 : memref<128x44xf32, #tpu.memory_space<vmem>>) target_semaphore(%run_scoped3A : memref<!tpu.dma_semaphore, #tpu.memory_space<semaphore_mem>>)
        %dma_wait3A_105 = arith.constant 0 : i32
        %dma_wait3A_106 = arith.constant 256 : i32
        %dma_wait3A_107 = tpu.memref_slice %arg8[%dma_wait3A_105, %dma_wait3A_106] : memref<128x300xf32, #tpu.memory_space<vmem>> -> memref<128x44xf32, #tpu.memory_space<vmem>>
        %dma_wait3A_108 = arith.constant 0 : i32
        %dma_wait3A_109 = tpu.memref_slice %arg3[%add3A_76, %dma_wait3A_108] : memref<204800x44xf32, #tpu.memory_space<hbm>> -> memref<128x44xf32, #tpu.memory_space<hbm>>
        %dma_wait3A_110 = arith.constant 0 : i32
        %dma_wait3A_111 = arith.constant 256 : i32
        %dma_wait3A_112 = tpu.memref_slice %arg8[%dma_wait3A_110, %dma_wait3A_111] : memref<128x300xf32, #tpu.memory_space<vmem>> -> memref<128x44xf32, #tpu.memory_space<vmem>>
        %dma_wait3A_113 = arith.constant 0 : i32
        %dma_wait3A_114 = tpu.memref_slice %arg3[%add3A_76, %dma_wait3A_113] : memref<204800x44xf32, #tpu.memory_space<hbm>> -> memref<128x44xf32, #tpu.memory_space<hbm>>
        tpu.wait_dma2 semaphore(%run_scoped3A : memref<!tpu.dma_semaphore, #tpu.memory_space<semaphore_mem>>) src(%dma_wait3A_114 : memref<128x44xf32, #tpu.memory_space<hbm>>) dst(%dma_wait3A_112 : memref<128x44xf32, #tpu.memory_space<vmem>>)
        tpu.yield
      }) : () -> ()
      "tpu.region"() ({
        %run_scoped3A = tpu.sem_alloc : memref<!tpu.dma_semaphore, #tpu.memory_space<semaphore_mem>>
        %dma_start3A_95 = arith.constant 0 : i32
        %dma_start3A_96 = tpu.memref_slice %arg5[%add3A_76, %dma_start3A_95] : memref<204800x300xf32, #tpu.memory_space<hbm>> -> memref<128x300xf32, #tpu.memory_space<hbm>>
        %dma_start3A_97 = arith.constant 0 : i32
        %dma_start3A_98 = tpu.memref_slice %arg5[%add3A_76, %dma_start3A_97] : memref<204800x300xf32, #tpu.memory_space<hbm>> -> memref<128x300xf32, #tpu.memory_space<hbm>>
        tpu.enqueue_dma source(%arg8 : memref<128x300xf32, #tpu.memory_space<vmem>>) target(%dma_start3A_98 : memref<128x300xf32, #tpu.memory_space<hbm>>) target_semaphore(%run_scoped3A : memref<!tpu.dma_semaphore, #tpu.memory_space<semaphore_mem>>)
        %dma_wait3A_99 = arith.constant 0 : i32
        %dma_wait3A_100 = tpu.memref_slice %arg5[%add3A_76, %dma_wait3A_99] : memref<204800x300xf32, #tpu.memory_space<hbm>> -> memref<128x300xf32, #tpu.memory_space<hbm>>
        %dma_wait3A_101 = arith.constant 0 : i32
        %dma_wait3A_102 = tpu.memref_slice %arg5[%add3A_76, %dma_wait3A_101] : memref<204800x300xf32, #tpu.memory_space<hbm>> -> memref<128x300xf32, #tpu.memory_space<hbm>>
        tpu.wait_dma2 semaphore(%run_scoped3A : memref<!tpu.dma_semaphore, #tpu.memory_space<semaphore_mem>>) src(%arg8 : memref<128x300xf32, #tpu.memory_space<vmem>>) dst(%dma_wait3A_102 : memref<128x300xf32, #tpu.memory_space<hbm>>)
        tpu.yield
      }) : () -> ()
    }
    %scan3A_26 = arith.constant 25 : i32
    return
  }
}

</mosaic_0001>

<sc_bundles>
// kernel: kernel.3.cloned.1.call-start
scs
__scs_entry_jumppad:
0x0: {  	(pc) =	sbr.rel $0x88, $3  }
0x1: {  	(tag) =	ssettag $0x0;
	lr =	simm.s32 $0x1  }
0x2: {  	[smem:$0x3F9F] =	sst lr;
	_ =	strace $0xD0000000  }
0x3: {  	_ = 	snop  }
0x4: {  	_ = 	snop  }
0x5: {  	_ = 	snop  }
0x6: {  	_ = 	snop  }
0x7: {  	_ = 	snop  }
__scs_overlays_trampoline_lowered:
0x8: {  	[smem:$0x3FAE] =	sst s0  }
0x9: {  	[smem:$0x3FAF] =	sst s1  }
0xa: {  	[smem:$0x3FB0] =	sst s2  }
0xb: {  	[smem:$0x3FB1] =	sst s3  }
0xc: {  	[smem:$0x3FB2] =	sst s4  }
0xd: {  	[smem:$0x3FB3] =	sst s5  }
0xe: {  	[smem:$0x3FB4] =	sst s6  }
0xf: {  	[smem:$0x3FB5] =	sst s7  }
0x10: {  	[smem:$0x3FB6] =	sst s8  }
0x11: {  	[smem:$0x3FB7] =	sst s9;
	s0 =	simm.s32 @!p0 $0x0  }
0x12: {  	s1 =	sld [smem:$0x3F9D];
	s0 =	simm.s32 @p0 $0x1  }
0x13: {  	[smem:$0x3FB8] =	sst s0;
	s0 =	simm.s32 @!p1 $0x0  }
0x14: {  	s2 =	sld [smem:$0x3F9C];
	s0 =	simm.s32 @p1 $0x1  }
0x15: {  	[smem:$0x3FB9] =	sst s0;
	s0 =	simm.s32 @!p2 $0x0  }
0x16: {  	s3 =	sld [smem:$0x3FDB];
	s0 =	simm.s32 @p2 $0x1  }
0x17: {  	s4 =	simm.s32 $0x1BF5;
	[smem:$0x3FBB] =	sst s0  }
0x18: {  	s0 =	sld [smem:$0x3F9E];
	_ =	swait.ge [sflag:s4], $0x0  }
0x19: {  	s7 =	sld [smem:$0x3F9F]  }
0x1a: {  	s8 =	sadd.s32 $0xFFFFE003, lr  }
0x1b: {  	s9 =	sadd.s32 $0xFFFFFEF7, lr;
	s5 =	simm.s32 $0xFFFFFFFF;
	p2 =	slt.u32 s8, $0xFFFFF086  }
0x1c: {  	p1 =	slt.u32 s9, $0xF7A;
	s5 =	simm.s32 @!p2 $0x0  }
0x1d: {  	s5 =	simm.s32 @p1 $0x1;
	p0 =	seq.s32 s7, s2  }
0x1e: {  	s7 =	smul.u32 @!p0 $0xF7A, s2;
	p2 =	seq.s32 @!p0 s5, $0x0  }
0x1f: {  	s9 =	smul.u32 $0xF7A, s1;
	s8 =	simm.s32 @!p0 $0x1BF5;
	p2 =	por !p2, p0  }
0x20: {  	[sflag:s8] =	ssyncset.s32 @!p0 $0xFFFFF086;
	s6 =	sadd.s32 @!p0 s3, s7;
	s7 =	simm.s32 @!p0 $0x108  }
0x21: {  	s3 =	sadd.s32 s3, s9;
	s6 =	sadd.s32 @!p0 $0x88, s6;
	s7 =	simm.s32 @p2 $0x1082  }
0x22: {  	[simem:s7], [sflag:s8] =	dma.local @!p0 [hbm:s6], $0xF7A  }
0x23: {  	s9 =	sor.u32 $0xD0000000, s2;
	s6 =	simm.s32 $0x108;
	_ =	swait.ge @!p0 [sflag:s8], $0x0  }
0x24: {  	s3 =	sadd.s32 $0x88, s3;
	s6 =	simm.s32 @!p1 $0x1082;
	[sflag:s4] =	ssyncset.s32 $0xFFFFF086  }
0x25: {  	[simem:s6], [sflag:s4] =	dma.local [hbm:s3], $0xF7A  }
0x26: {  	[smem:$0x3F9F] =	sst s1;
	(tag) =	ssettag s2;
	_ =	strace s9  }
0x27: {  	s1 =	sld [smem:$0x3FAF]  }
0x28: {  	s2 =	sld [smem:$0x3FB0]  }
0x29: {  	s4 =	sld [smem:$0x3FB2]  }
0x2a: {  	p0 =	seq.s32 s5, $0x0;
	s5 =	sld [smem:$0x3FB3]  }
0x2b: {  	s6 =	sld [smem:$0x3FB4]  }
0x2c: {  	s7 =	sld [smem:$0x3FB5]  }
0x2d: {  	s3 =	simm.s32 $0x108;
	s8 =	sld [smem:$0x3FB6]  }
0x2e: {  	s3 =	simm.s32 @!p0 $0x1082;
	s9 =	sld [smem:$0x3FB7]  }
0x2f: {  	lr =	sadd.s32 s0, s3;
	s0 =	sld [smem:$0x3FAE]  }
0x30: {  	s3 =	sld [smem:$0x3FB1]  }
0x31: {  	[smem:$0x3FBA] =	sst s10  }
0x32: {  	s10 =	sld [smem:$0x3FB8];
	_ =	sdelay $0x3  }
0x33: {  	p0 =	seq.s32 s10, $0x1;
	s10 =	sld [smem:$0x3FBA];
	_ =	sdelay $0x3  }
0x34: {  	[smem:$0x3FBA] =	sst s10  }
0x35: {  	s10 =	sld [smem:$0x3FB9];
	_ =	sdelay $0x3  }
0x36: {  	p1 =	seq.s32 s10, $0x1;
	s10 =	sld [smem:$0x3FBA];
	_ =	sdelay $0x3  }
0x37: {  	[smem:$0x3FBA] =	sst s10  }
0x38: {  	s10 =	sld [smem:$0x3FBB]  }
0x39: {  	_ = 	snop;
	(pc) =	sbr.ind lr, $3  }
0x3a: {  	_ = 	snop  }
0x3b: {  	_ = 	snop  }
0x3c: {  	p2 =	seq.s32 s10, $0x1;
	s10 =	sld [smem:$0x3FBA]  }
0x3d: {  	_ =	shalt  }
0x3e: {  	_ =	shalt  }
0x3f: {  	_ =	shalt  }
0x40: {  	_ =	shalt  }
0x41: {  	_ =	shalt  }
0x42: {  	_ =	shalt  }
0x43: {  	_ =	shalt  }
0x44: {  	_ =	shalt  }
0x45: {  	_ =	shalt  }
0x46: {  	_ =	shalt  }
0x47: {  	_ =	shalt  }
0x48: {  	_ =	shalt  }
0x49: {  	_ =	shalt  }
0x4a: {  	_ =	shalt  }
0x4b: {  	_ =	shalt  }
0x4c: {  	_ =	shalt  }
0x4d: {  	_ =	shalt  }
0x4e: {  	_ =	shalt  }
0x4f: {  	_ =	shalt  }
0x50: {  	_ =	shalt  }
0x51: {  	_ =	shalt  }
0x52: {  	_ =	shalt  }
0x53: {  	_ =	shalt  }
0x54: {  	_ =	shalt  }
0x55: {  	_ =	shalt  }
0x56: {  	_ =	shalt  }
0x57: {  	_ =	shalt  }
0x58: {  	_ =	shalt  }
0x59: {  	_ =	shalt  }
0x5a: {  	_ =	shalt  }
0x5b: {  	_ =	shalt  }
0x5c: {  	_ =	shalt  }
0x5d: {  	_ =	shalt  }
0x5e: {  	_ =	shalt  }
0x5f: {  	_ =	shalt  }
0x60: {  	_ =	shalt  }
0x61: {  	_ =	shalt  }
0x62: {  	_ =	shalt  }
0x63: {  	_ =	shalt  }
0x64: {  	_ =	shalt  }
0x65: {  	_ =	shalt  }
0x66: {  	_ =	shalt  }
0x67: {  	_ =	shalt  }
0x68: {  	_ =	shalt  }
0x69: {  	_ =	shalt  }
0x6a: {  	_ =	shalt  }
0x6b: {  	_ =	shalt  }
0x6c: {  	_ =	shalt  }
0x6d: {  	_ =	shalt  }
0x6e: {  	_ =	shalt  }
0x6f: {  	_ =	shalt  }
0x70: {  	_ =	shalt  }
0x71: {  	_ =	shalt  }
0x72: {  	_ =	shalt  }
0x73: {  	_ =	shalt  }
0x74: {  	_ =	shalt  }
0x75: {  	_ =	shalt  }
0x76: {  	_ =	shalt  }
0x77: {  	_ =	shalt  }
0x78: {  	_ =	shalt  }
0x79: {  	_ =	shalt  }
0x7a: {  	_ =	shalt  }
0x7b: {  	_ =	shalt  }
0x7c: {  	_ =	shalt  }
0x7d: {  	_ =	shalt  }
0x7e: {  	_ =	shalt  }
0x7f: {  	_ =	shalt  }
0x80: {  	_ =	shalt  }
0x81: {  	_ =	shalt  }
0x82: {  	_ =	shalt  }
0x83: {  	_ =	shalt  }
0x84: {  	_ =	shalt  }
0x85: {  	_ =	shalt  }
0x86: {  	_ =	shalt  }
0x87: {  	_ =	shalt  }
.Lfunc_end0:
.L_simem_size_0:
called_computation.1_lowered:
.L_overlay_start_0:
0x88: {  	s2 =	sld [smem:$0x3FD9]  }
0x89: {  	s3 =	sld [smem:$0x3FFE];
	_ =	sdelay $0x1  }
0x8a: {  	s1 =	srdreg.scid  }
0x8b: {  	s0 =	sand.u32 $0x1, s1  }
0x8c: {  	s17 =	sshll.u32 s0, $0xA;
	s2 =	sadd.s32 s3, s2  }
0x8d: {  	s2 =	sadd.s32 s2, s17  }
0x8e: {  	[smem:$0x3FC6] =	sst s2  }
0x8f: {  	_ = 	snop  }
0x90: {  	s2 =	sld [smem:$0x3FD0];
	(tm) =	ssettm $0x1  }
0x91: {  	s18 =	sld [smem:$0x3FFB];
	_ =	sdelay $0x3  }
0x92: {  	_ =	strace s18  }
0x93: {  	s3 =	sld [smem:$0x3FFC];
	_ =	sdelay $0x3  }
0x94: {  	_ =	strace s3  }
0x95: {  	s3 =	sld [smem:$0x3FFD];
	_ =	sdelay $0x3  }
0x96: {  	_ =	strace s3  }
0x97: {  	_ =	strace $0x8FFFFFFF  }
0x98: {  	s19 =	sld [smem:$0x3FDB];
	_ =	sdelay $0x1  }
0x99: {  	s4 =	simm.s32 $_scs_section_size  }
0x9a: {  	s5 =	simm.s32 $_size__tile_overlayer_lowered;
	s6 =	simm.s32 $_tile_overlayer_lowered  }
0x9b: {  	s22 =	simm.s32 $0x1BFF;
	s21 =	sshll.u32 s6, $0x1;
	s3 =	sadd.s32 s4, s19  }
0x9c: {  	s7 =	simm.s32 $0x0;
	s20 =	sshll.u32 s5, $0x1;
	s5 =	sadd.s32 s21, s3  }
0x9d: {  	[timem:s7], [sflag:s22] =	dma.local [hbm:s5], s20  }
0x9e: {  	_ =	swait.ge [sflag:s22], s20  }
0x9f: {  	s4 =	ssub.s32 $0x0, s20;
	[sflag:s22] =	ssyncset.done $0x0  }
0xa0: {  	[sflag:s22] =	ssyncadd.s32 s4;
	_ =	sdelay $0x1  }
0xa1: {  	s23 =	simm.s32 $0x1B8B  }
0xa2: {  	_ =	swait.ge [sflag:s23], $0x1  }
0xa3: {  	[sflag:s23] =	ssyncset.done $0x0  }
0xa4: {  	s25 =	simm.s32 $0x1B8E;
	s24 =	sld [smem:$0x3FFE];
	[sflag:s23] =	ssyncadd.s32 $0xFFFFFFFF  }
0xa5: {  	s26 =	simm.s32 $execute0_lowered;
	[smem:$0x3FD2] =	sst s25  }
0xa6: {  	s5 =	sshll.u32 s26, $0x1;
	_ =	strace $0x80000046;
	[dreg:$0x1] =	wrdreg $0xFFFFFFFF  }
0xa7: {  	s28 =	simm.s32 $_size_execute0_lowered;
	s3 =	sadd.s32 s3, s5;
	[dreg:$0x0] =	wrdreg $0x0  }
0xa8: {  	s5 =	sshll.u32 s28, $0x1;
	[dreg:$0x2] =	wrdreg s3  }
0xa9: {  	[dreg:$0x3] =	wrdreg s5  }
0xaa: {  	[dreg:$0x4] =	wrdreg $0xC0  }
0xab: {  	_ =	task [dreg:s7], $0x5FFFF  }
0xac: {  	[dreg:$0x1] =	wrdreg $0xFFFFFFFF  }
0xad: {  	[dreg:$0x0] =	wrdreg $0x60  }
0xae: {  	[dreg:$0x2] =	wrdreg s2  }
0xaf: {  	[dreg:$0x3] =	wrdreg s24  }
0xb0: {  	[dreg:$0x4] =	wrdreg $0x9  }
0xb1: {  	_ =	task.clear_ibuf [dreg:s7], $0x5FFFF;
	_ =	strace $0x90000046  }
0xb2: {  	s29 =	simm.s32 $0x9;
	_ =	strace $0x80000048  }
0xb3: {  	_ =	swait.ge [sflag:s29], $0x1  }
0xb4: {  	[sflag:s29] =	ssyncadd.s32 $0xFFFFFFFF  }
0xb5: {  	_ =	strace $0x90000048  }
0xb6: {  	_ =	sfence  }
0xb7: {  	s30 =	sld [smem:$0x0];
	_ =	sdelay $0x2  }
0xb8: {  	s31 =	sshll.u32 s1, $0xD;
	s1 =	sshrl.u32 s1, $0x2  }
0xb9: {  	s3 =	sand.u32 $0x4000, s31;
	s1 =	sadd.s32 s1, s30  }
0xba: {  	s0 =	sor.u32 s3, s0;
	s1 =	sshll.u32 s1, $0x11  }
0xbb: {  	s0 =	sor.u32 s1, s0  }
0xbc: {  	s0 =	sadd.s32 $0x8F2B, s0  }
0xbd: {  	[sflag:s0] =	ssyncadd.remote.s32 $0x1  }
0xbe: {  	_ =	sfence.sel $0xFFFF  }
0xbf: {  	[dreg:$0x0] =	wrdreg $0xFFFFFFFF;
	(pc) =	sbr.abs _section_cstart, $3  }
0xc0: {  	[dreg:$0x1] =	wrdreg $0xFFFFFFFF  }
0xc1: {  	_ =	task.clear_ibuf [dreg:s7], $0x2FFFF;
	_ =	strace $0x9FFFFFFF  }
0xc2: {  	(tm) =	ssettm $0x7FFFFFFF  }
0xc3: {  	_ =	shalt  }
tec
execute0_lowered:
.L_overlay_start_1:
0x0: {  	(tag) =	ssettag $0x1  }
0x1: {  	s2 =	rddreg [dreg:$0x0]  }
0x2: {  	s7 =	stileid.u32;
	s0 =	srdreg.scid  }
0x3: {  	s1 =	rddreg [dreg:$0x1];
	s3 =	simm.s32 $0x0;
	s10 =	simm.s32 $0x3  }
0x4: {  	s11 =	simm.s32 $0x1C00;
	s18 =	simm.s32 $0xDC00;
	s19 =	simm.s32 $0x2  }
0x5: {  	s21 =	simm.s32 $0xF000;
	s22 =	simm.s32 $0xFC00;
	s23 =	simm.s32 $0x10800  }
0x6: {  	s28 =	simm.s32 $0x12C00;
	s29 =	simm.s32 $0x13800;
	s30 =	simm.s32 $0x14400  }
0x7: {  	s31 =	simm.s32 $0x15000;
	s13 =	simm.s32 $0x0;
	s4 =	smul.u32 $0x3200, s7  }
0x8: {  	s0 =	sand.u32 $0x1, s0;
	s5 =	sshll.u32 s7, $0x1;
	s7 =	smul.u32 $0x32000, s7  }
0x9: {  	[smem:$0x7FF] =	sst s3;
	s6 =	smul.u32 $0x1900, s0;
	s5 =	sor.u32 s0, s5  }
0xa: {  	_ =	strace $0x80000047;
	s8 =	ssub.s32 $0x2, s0;
	s0 =	smul.u32 $0x19000, s0  }
0xb: {  	s5 =	smul.u32 $0x380, s5;
	s24 =	sadd.s32 s7, s1;
	s9 =	sshrl.u32 s8, $0x1  }
0xc: {  	s4 =	sadd.s32 s6, s4;
	s8 =	ssub.s32 s8, s9;
	s0 =	sadd.s32 s0, s24  }
0xd: {  	s24 =	simm.s32 $0x11400;
	s6 =	simm.s32 $0x18000;
	s9 =	simm.s32 $0x19800  }
0xe: {  	s25 =	sor.u32 $0x80, s4;
	s5 =	sadd.s32 s5, s1;
	s1 =	sadd.s32 $0x4AE200, s1  }
0xf: {  	s4 =	sshrl.u32 s4, $0x3;
	s8 =	smax.u32 s8, $0x1;
	s7 =	sshrl.u32 s25, $0x3  }
0x10: {  	s5 =	sadd.s32 $0x800, s5;
	s4 =	smul.u32 $0x180, s4;
	[dreg:$0x4] =	wrdreg s8  }
.Ltmp0:
0x11: {  	s8 =	sadd.s32 $0x18E200, s0;
	s25 =	simm.s32 $0x12000;
	(pc) =	sbr.rel .LBB2_1-.Ltmp0, $4  }
0x12: {  	s0 =	simm.s32 $0x16800;
	s7 =	smul.u32 $0x180, s7;
	[dreg:$0x3] =	wrdreg s5  }
0x13: {  	v2 =	vlaneseq.u32;
	s5 =	sadd.s32 $0x80, s2;
	s26 =	sadd.s32 s4, s1;
	s4 =	simm.s32 $0x17400  }
0x14: {  	vm0 =	vmmov $0xff;
	v1 =	vshrl.u32 v2, $0x3;
	s7 =	sadd.s32 s7, s1;
	[dreg:$0x6] =	wrdreg s26;
	s26 =	simm.s32 $0x1  }
0x15: {  	v0 =	vand.u32 $0x7, v2;
	v2 =	vor.u32 $0x8, v2;
	v1 =	vmul.u32 $0x8, v1;
	s1 =	simm.s32 $0x15C00;
	[dreg:$0x5] =	wrdreg s7;
	s7 =	simm.s32 $0x18C00  }
.LBB2_5:
0x16: {  	s13 =	rddreg [dreg:$0x7]  }
0x17: {  	s12 =	rddreg [dreg:$0x4];
	s13 =	sadd.s32 $0x1, s13  }
0x18: {  	p0 =	sne.s32 s13, s12  }
.Ltmp1:
0x19: {  	_ = 	snop;
	(pc) =	sbr.rel @!p0 .LBB2_6-.Ltmp1, $1  }
0x1a: {  	_ =	sdelay $0x3  }
.LBB2_1:
0x1b: {  	[dreg:$0x7] =	wrdreg s13  }
0x1c: {  	s12 =	rddreg [dreg:$0x3]  }
0x1d: {  	[tilespmem:s3], [sflag:$0x3] =	stream.linear.gather [hbm4b:s12+s3], $0x1900, $0x38;
	[tilespmem:$0x19C00] =	vst v63  }
0x1e: {  	_ =	swait.ge [sflag:s10], $0x1900  }
0x1f: {  	[sflag:s10] =	ssyncset.done $0x0  }
0x20: {  	[sflag:s10] =	ssyncadd.s32 $0xFFFFE700  }
0x21: {  	v3 =	vld [tilespmem:$0x0];
	_ =	sdelay $0x4  }
0x22: {  	v4 =	vshrl.u32 v3, $0x3  }
0x23: {  	v4 =	vmul.u32 $0x18, v4  }
0x24: {  	v3 =	vand.u32 $0x7, v3  }
0x25: {  	v3 =	vor.u32 v3, v4  }
0x26: {  	v4 =	vperm.xlane v3, v0;
	_ =	sdelay $0x1  }
0x27: {  	v3 =	vperm.xlane v3, v2;
	v4 =	vadd.s32 v1, v4;
	_ =	sdelay $0x1  }
0x28: {  	v3 =	vadd.s32 v1, v3;
	_ =	sdelay $0x2  }
0x29: {  	[tilespmem:s11], [sflag:$0x1] =	stream.indirect_vreg.gather [hbm4b:s2+s3], $0x80, v4, vm0, $0xb8;
	[tilespmem:$0x19C00] =	vst v63  }
0x2a: {  	s20 =	simm.s32 $0x2800  }
0x2b: {  	[tilespmem:s20], [sflag:$0x1] =	stream.indirect_vreg.gather [hbm4b:s2+s3], $0x80, v3, vm0, $0xb8;
	[tilespmem:$0x19C00] =	vst v63  }
0x2c: {  	v3 =	vld [tilespmem:$0x10];
	_ =	sdelay $0x4  }
0x2d: {  	v49 =	vshrl.u32 v3, $0x3  }
0x2e: {  	v4 =	vmul.u32 $0x18, v49  }
0x2f: {  	v3 =	vand.u32 $0x7, v3  }
0x30: {  	v3 =	vor.u32 v3, v4  }
0x31: {  	v4 =	vperm.xlane v3, v0;
	_ =	sdelay $0x1  }
0x32: {  	v3 =	vperm.xlane v3, v2;
	v4 =	vadd.s32 v1, v4;
	_ =	sdelay $0x1  }
0x33: {  	v3 =	vadd.s32 v1, v3;
	_ =	sdelay $0x1  }
0x34: {  	s13 =	simm.s32 $0x3400  }
0x35: {  	[tilespmem:s13], [sflag:$0x1] =	stream.indirect_vreg.gather [hbm4b:s2+s3], $0x80, v4, vm0, $0xb8;
	[tilespmem:$0x19C00] =	vst v63  }
0x36: {  	s14 =	simm.s32 $0x4000  }
0x37: {  	[tilespmem:s14], [sflag:$0x1] =	stream.indirect_vreg.gather [hbm4b:s2+s3], $0x80, v3, vm0, $0xb8;
	[tilespmem:$0x19C00] =	vst v63  }
0x38: {  	v3 =	vld [tilespmem:$0x20];
	_ =	sdelay $0x4  }
0x39: {  	v50 =	vshrl.u32 v3, $0x3  }
0x3a: {  	v4 =	vmul.u32 $0x18, v50  }
0x3b: {  	v3 =	vand.u32 $0x7, v3  }
0x3c: {  	v3 =	vor.u32 v3, v4  }
0x3d: {  	v4 =	vperm.xlane v3, v0;
	_ =	sdelay $0x1  }
0x3e: {  	v3 =	vperm.xlane v3, v2;
	v4 =	vadd.s32 v1, v4;
	_ =	sdelay $0x1  }
0x3f: {  	v3 =	vadd.s32 v1, v3;
	_ =	sdelay $0x1  }
0x40: {  	s15 =	simm.s32 $0x4C00  }
0x41: {  	[tilespmem:s15], [sflag:$0x1] =	stream.indirect_vreg.gather [hbm4b:s2+s3], $0x80, v4, vm0, $0xb8;
	[tilespmem:$0x19C00] =	vst v63  }
0x42: {  	s16 =	simm.s32 $0x5800  }
0x43: {  	[tilespmem:s16], [sflag:$0x1] =	stream.indirect_vreg.gather [hbm4b:s2+s3], $0x80, v3, vm0, $0xb8;
	[tilespmem:$0x19C00] =	vst v63  }
0x44: {  	v3 =	vld [tilespmem:$0x30];
	_ =	sdelay $0x4  }
0x45: {  	v51 =	vshrl.u32 v3, $0x3  }
0x46: {  	v4 =	vmul.u32 $0x18, v51  }
0x47: {  	v3 =	vand.u32 $0x7, v3  }
0x48: {  	v3 =	vor.u32 v3, v4  }
0x49: {  	v4 =	vperm.xlane v3, v0;
	_ =	sdelay $0x1  }
0x4a: {  	v3 =	vperm.xlane v3, v2;
	v4 =	vadd.s32 v1, v4;
	_ =	sdelay $0x1  }
0x4b: {  	v3 =	vadd.s32 v1, v3;
	_ =	sdelay $0x1  }
0x4c: {  	s17 =	simm.s32 $0x6400  }
0x4d: {  	[tilespmem:s17], [sflag:$0x1] =	stream.indirect_vreg.gather [hbm4b:s2+s3], $0x80, v4, vm0, $0xb8;
	[tilespmem:$0x19C00] =	vst v63  }
0x4e: {  	s20 =	simm.s32 $0x7000  }
0x4f: {  	[tilespmem:s20], [sflag:$0x1] =	stream.indirect_vreg.gather [hbm4b:s2+s3], $0x80, v3, vm0, $0xb8;
	[tilespmem:$0x19C00] =	vst v63  }
0x50: {  	v3 =	vld [tilespmem:$0x40];
	_ =	sdelay $0x4  }
0x51: {  	v52 =	vshrl.u32 v3, $0x3  }
0x52: {  	v4 =	vmul.u32 $0x18, v52  }
0x53: {  	v3 =	vand.u32 $0x7, v3  }
0x54: {  	v3 =	vor.u32 v3, v4  }
0x55: {  	v4 =	vperm.xlane v3, v0;
	_ =	sdelay $0x1  }
0x56: {  	v3 =	vperm.xlane v3, v2;
	v4 =	vadd.s32 v1, v4;
	_ =	sdelay $0x1  }
0x57: {  	v3 =	vadd.s32 v1, v3;
	_ =	sdelay $0x1  }
0x58: {  	s13 =	simm.s32 $0x7C00  }
0x59: {  	[tilespmem:s13], [sflag:$0x1] =	stream.indirect_vreg.gather [hbm4b:s2+s3], $0x80, v4, vm0, $0xb8;
	[tilespmem:$0x19C00] =	vst v63  }
0x5a: {  	s14 =	simm.s32 $0x8800  }
0x5b: {  	[tilespmem:s14], [sflag:$0x1] =	stream.indirect_vreg.gather [hbm4b:s2+s3], $0x80, v3, vm0, $0xb8;
	[tilespmem:$0x19C00] =	vst v63  }
0x5c: {  	v3 =	vld [tilespmem:$0x50];
	_ =	sdelay $0x4  }
0x5d: {  	v53 =	vshrl.u32 v3, $0x3  }
0x5e: {  	v4 =	vmul.u32 $0x18, v53  }
0x5f: {  	v3 =	vand.u32 $0x7, v3  }
0x60: {  	v3 =	vor.u32 v3, v4  }
0x61: {  	v4 =	vperm.xlane v3, v0;
	_ =	sdelay $0x1  }
0x62: {  	v3 =	vperm.xlane v3, v2;
	v4 =	vadd.s32 v1, v4;
	_ =	sdelay $0x1  }
0x63: {  	v3 =	vadd.s32 v1, v3;
	_ =	sdelay $0x1  }
0x64: {  	s15 =	simm.s32 $0x9400  }
0x65: {  	[tilespmem:s15], [sflag:$0x1] =	stream.indirect_vreg.gather [hbm4b:s2+s3], $0x80, v4, vm0, $0xb8;
	[tilespmem:$0x19C00] =	vst v63  }
0x66: {  	s16 =	simm.s32 $0xA000  }
0x67: {  	[tilespmem:s16], [sflag:$0x1] =	stream.indirect_vreg.gather [hbm4b:s2+s3], $0x80, v3, vm0, $0xb8;
	[tilespmem:$0x19C00] =	vst v63  }
0x68: {  	v3 =	vld [tilespmem:$0x60];
	_ =	sdelay $0x4  }
0x69: {  	v54 =	vshrl.u32 v3, $0x3  }
0x6a: {  	v4 =	vmul.u32 $0x18, v54  }
0x6b: {  	v3 =	vand.u32 $0x7, v3  }
0x6c: {  	v3 =	vor.u32 v3, v4  }
0x6d: {  	v4 =	vperm.xlane v3, v0;
	_ =	sdelay $0x1  }
0x6e: {  	v3 =	vperm.xlane v3, v2;
	v4 =	vadd.s32 v1, v4;
	_ =	sdelay $0x1  }
0x6f: {  	v3 =	vadd.s32 v1, v3;
	_ =	sdelay $0x1  }
0x70: {  	s17 =	simm.s32 $0xAC00  }
0x71: {  	[tilespmem:s17], [sflag:$0x1] =	stream.indirect_vreg.gather [hbm4b:s2+s3], $0x80, v4, vm0, $0xb8;
	[tilespmem:$0x19C00] =	vst v63  }
0x72: {  	s20 =	simm.s32 $0xB800  }
0x73: {  	[tilespmem:s20], [sflag:$0x1] =	stream.indirect_vreg.gather [hbm4b:s2+s3], $0x80, v3, vm0, $0xb8;
	[tilespmem:$0x19C00] =	vst v63  }
0x74: {  	v3 =	vld [tilespmem:$0x70];
	_ =	sdelay $0x4  }
0x75: {  	v55 =	vshrl.u32 v3, $0x3  }
0x76: {  	v4 =	vmul.u32 $0x18, v55  }
0x77: {  	v3 =	vand.u32 $0x7, v3  }
0x78: {  	v3 =	vor.u32 v3, v4  }
0x79: {  	v4 =	vperm.xlane v3, v0;
	_ =	sdelay $0x1  }
0x7a: {  	v3 =	vperm.xlane v3, v2;
	v4 =	vadd.s32 v1, v4;
	_ =	sdelay $0x1  }
0x7b: {  	v3 =	vadd.s32 v1, v3;
	_ =	sdelay $0x1  }
0x7c: {  	s13 =	simm.s32 $0xC400  }
0x7d: {  	[tilespmem:s13], [sflag:$0x1] =	stream.indirect_vreg.gather [hbm4b:s2+s3], $0x80, v4, vm0, $0xb8;
	[tilespmem:$0x19C00] =	vst v63  }
0x7e: {  	s14 =	simm.s32 $0xD000  }
0x7f: {  	[tilespmem:s14], [sflag:$0x1] =	stream.indirect_vreg.gather [hbm4b:s2+s3], $0x80, v3, vm0, $0xb8;
	[tilespmem:$0x19C00] =	vst v63  }
0x80: {  	v3 =	vld [tilespmem:$0x0];
	_ =	sdelay $0x4  }
0x81: {  	v56 =	vshrl.u32 v3, $0x3  }
0x82: {  	v4 =	vmul.u32 $0x18, v56  }
0x83: {  	v3 =	vand.u32 $0x7, v3  }
0x84: {  	v3 =	vor.u32 v3, v4  }
0x85: {  	v4 =	vperm.xlane v3, v0;
	_ =	sdelay $0x1  }
0x86: {  	v3 =	vperm.xlane v3, v2;
	v4 =	vadd.s32 v1, v4;
	_ =	sdelay $0x1  }
0x87: {  	v3 =	vadd.s32 v1, v3;
	_ =	sdelay $0x1  }
0x88: {  	s15 =	simm.s32 $0x2000  }
0x89: {  	[tilespmem:s15], [sflag:$0x1] =	stream.indirect_vreg.gather [hbm4b:s5+s3], $0x80, v4, vm0, $0xb8;
	[tilespmem:$0x19C00] =	vst v63  }
0x8a: {  	s16 =	simm.s32 $0x2C00  }
0x8b: {  	[tilespmem:s16], [sflag:$0x1] =	stream.indirect_vreg.gather [hbm4b:s5+s3], $0x80, v3, vm0, $0xb8;
	[tilespmem:$0x19C00] =	vst v63  }
0x8c: {  	v3 =	vld [tilespmem:$0x10];
	_ =	sdelay $0x4  }
0x8d: {  	v57 =	vshrl.u32 v3, $0x3  }
0x8e: {  	v4 =	vmul.u32 $0x18, v57  }
0x8f: {  	v3 =	vand.u32 $0x7, v3  }
0x90: {  	v3 =	vor.u32 v3, v4  }
0x91: {  	v4 =	vperm.xlane v3, v0;
	_ =	sdelay $0x1  }
0x92: {  	v3 =	vperm.xlane v3, v2;
	v4 =	vadd.s32 v1, v4;
	_ =	sdelay $0x1  }
0x93: {  	v3 =	vadd.s32 v1, v3;
	_ =	sdelay $0x1  }
0x94: {  	s17 =	simm.s32 $0x3800  }
0x95: {  	[tilespmem:s17], [sflag:$0x1] =	stream.indirect_vreg.gather [hbm4b:s5+s3], $0x80, v4, vm0, $0xb8;
	[tilespmem:$0x19C00] =	vst v63  }
0x96: {  	s20 =	simm.s32 $0x4400  }
0x97: {  	[tilespmem:s20], [sflag:$0x1] =	stream.indirect_vreg.gather [hbm4b:s5+s3], $0x80, v3, vm0, $0xb8;
	[tilespmem:$0x19C00] =	vst v63  }
0x98: {  	v3 =	vld [tilespmem:$0x20];
	_ =	sdelay $0x4  }
0x99: {  	v58 =	vshrl.u32 v3, $0x3  }
0x9a: {  	v4 =	vmul.u32 $0x18, v58  }
0x9b: {  	v3 =	vand.u32 $0x7, v3  }
0x9c: {  	v3 =	vor.u32 v3, v4  }
0x9d: {  	v4 =	vperm.xlane v3, v0;
	_ =	sdelay $0x1  }
0x9e: {  	v3 =	vperm.xlane v3, v2;
	v4 =	vadd.s32 v1, v4;
	_ =	sdelay $0x1  }
0x9f: {  	v3 =	vadd.s32 v1, v3;
	_ =	sdelay $0x1  }
0xa0: {  	s13 =	simm.s32 $0x5000  }
0xa1: {  	[tilespmem:s13], [sflag:$0x1] =	stream.indirect_vreg.gather [hbm4b:s5+s3], $0x80, v4, vm0, $0xb8;
	[tilespmem:$0x19C00] =	vst v63  }
0xa2: {  	s14 =	simm.s32 $0x5C00  }
0xa3: {  	[tilespmem:s14], [sflag:$0x1] =	stream.indirect_vreg.gather [hbm4b:s5+s3], $0x80, v3, vm0, $0xb8;
	[tilespmem:$0x19C00] =	vst v63  }
0xa4: {  	v3 =	vld [tilespmem:$0x30];
	_ =	sdelay $0x4  }
0xa5: {  	v59 =	vshrl.u32 v3, $0x3  }
0xa6: {  	v4 =	vmul.u32 $0x18, v59  }
0xa7: {  	v3 =	vand.u32 $0x7, v3  }
0xa8: {  	v3 =	vor.u32 v3, v4  }
0xa9: {  	v4 =	vperm.xlane v3, v0;
	_ =	sdelay $0x1  }
0xaa: {  	v3 =	vperm.xlane v3, v2;
	v4 =	vadd.s32 v1, v4;
	_ =	sdelay $0x1  }
0xab: {  	v3 =	vadd.s32 v1, v3;
	_ =	sdelay $0x1  }
0xac: {  	s15 =	simm.s32 $0x6800  }
0xad: {  	[tilespmem:s15], [sflag:$0x1] =	stream.indirect_vreg.gather [hbm4b:s5+s3], $0x80, v4, vm0, $0xb8;
	[tilespmem:$0x19C00] =	vst v63  }
0xae: {  	s16 =	simm.s32 $0x7400  }
0xaf: {  	[tilespmem:s16], [sflag:$0x1] =	stream.indirect_vreg.gather [hbm4b:s5+s3], $0x80, v3, vm0, $0xb8;
	[tilespmem:$0x19C00] =	vst v63  }
0xb0: {  	v3 =	vld [tilespmem:$0x40];
	_ =	sdelay $0x4  }
0xb1: {  	v60 =	vshrl.u32 v3, $0x3  }
0xb2: {  	v4 =	vmul.u32 $0x18, v60  }
0xb3: {  	v3 =	vand.u32 $0x7, v3  }
0xb4: {  	v3 =	vor.u32 v3, v4  }
0xb5: {  	v4 =	vperm.xlane v3, v0;
	_ =	sdelay $0x1  }
0xb6: {  	v3 =	vperm.xlane v3, v2;
	v4 =	vadd.s32 v1, v4;
	_ =	sdelay $0x1  }
0xb7: {  	v3 =	vadd.s32 v1, v3;
	_ =	sdelay $0x1  }
0xb8: {  	s17 =	simm.s32 $0x8000  }
0xb9: {  	[tilespmem:s17], [sflag:$0x1] =	stream.indirect_vreg.gather [hbm4b:s5+s3], $0x80, v4, vm0, $0xb8;
	[tilespmem:$0x19C00] =	vst v63  }
0xba: {  	s20 =	simm.s32 $0x8C00  }
0xbb: {  	[tilespmem:s20], [sflag:$0x1] =	stream.indirect_vreg.gather [hbm4b:s5+s3], $0x80, v3, vm0, $0xb8;
	[tilespmem:$0x19C00] =	vst v63  }
0xbc: {  	v3 =	vld [tilespmem:$0x50];
	_ =	sdelay $0x4  }
0xbd: {  	v61 =	vshrl.u32 v3, $0x3  }
0xbe: {  	v4 =	vmul.u32 $0x18, v61  }
0xbf: {  	v3 =	vand.u32 $0x7, v3  }
0xc0: {  	v3 =	vor.u32 v3, v4  }
0xc1: {  	v4 =	vperm.xlane v3, v0;
	_ =	sdelay $0x1  }
0xc2: {  	v3 =	vperm.xlane v3, v2;
	v4 =	vadd.s32 v1, v4;
	_ =	sdelay $0x1  }
0xc3: {  	v3 =	vadd.s32 v1, v3;
	_ =	sdelay $0x1  }
0xc4: {  	s13 =	simm.s32 $0x9800  }
0xc5: {  	[tilespmem:s13], [sflag:$0x1] =	stream.indirect_vreg.gather [hbm4b:s5+s3], $0x80, v4, vm0, $0xb8;
	[tilespmem:$0x19C00] =	vst v63  }
0xc6: {  	s14 =	simm.s32 $0xA400  }
0xc7: {  	[tilespmem:s14], [sflag:$0x1] =	stream.indirect_vreg.gather [hbm4b:s5+s3], $0x80, v3, vm0, $0xb8;
	[tilespmem:$0x19C00] =	vst v63  }
0xc8: {  	v3 =	vld [tilespmem:$0x60];
	_ =	sdelay $0x4  }
0xc9: {  	v62 =	vshrl.u32 v3, $0x3  }
0xca: {  	v4 =	vmul.u32 $0x18, v62  }
0xcb: {  	v3 =	vand.u32 $0x7, v3  }
0xcc: {  	v3 =	vor.u32 v3, v4  }
0xcd: {  	v4 =	vperm.xlane v3, v0;
	_ =	sdelay $0x1  }
0xce: {  	v3 =	vperm.xlane v3, v2;
	v4 =	vadd.s32 v1, v4;
	_ =	sdelay $0x1  }
0xcf: {  	v3 =	vadd.s32 v1, v3;
	_ =	sdelay $0x1  }
0xd0: {  	s15 =	simm.s32 $0xB000  }
0xd1: {  	[tilespmem:s15], [sflag:$0x1] =	stream.indirect_vreg.gather [hbm4b:s5+s3], $0x80, v4, vm0, $0xb8;
	[tilespmem:$0x19C00] =	vst v63  }
0xd2: {  	s16 =	simm.s32 $0xBC00  }
0xd3: {  	[tilespmem:s16], [sflag:$0x1] =	stream.indirect_vreg.gather [hbm4b:s5+s3], $0x80, v3, vm0, $0xb8;
	[tilespmem:$0x19C00] =	vst v63  }
0xd4: {  	v3 =	vld [tilespmem:$0x70];
	_ =	sdelay $0x4  }
0xd5: {  	v63 =	vshrl.u32 v3, $0x3  }
0xd6: {  	v4 =	vmul.u32 $0x18, v63  }
0xd7: {  	v3 =	vand.u32 $0x7, v3  }
0xd8: {  	v3 =	vor.u32 v3, v4  }
0xd9: {  	v4 =	vperm.xlane v3, v0;
	_ =	sdelay $0x1  }
0xda: {  	v3 =	vperm.xlane v3, v2;
	v4 =	vadd.s32 v1, v4;
	_ =	sdelay $0x1  }
0xdb: {  	v3 =	vadd.s32 v1, v3  }
.Ltmp2:
0xdc: {  	_ = 	snop;
	(pc) =	sbr.rel .LBB2_2-.Ltmp2, $4  }
0xdd: {  	s12 =	simm.s32 $0xC0;
	s17 =	simm.s32 $0xC800;
	s13 =	rddreg [dreg:$0x6]  }
0xde: {  	[tilespmem:s17], [sflag:$0x1] =	stream.indirect_vreg.gather [hbm4b:s5+s3], $0x80, v4, vm0, $0xb8;
	[tilespmem:$0x19C00] =	vst v63  }
0xdf: {  	s20 =	simm.s32 $0xD400;
	s14 =	simm.s32 $0x0;
	s15 =	rddreg [dreg:$0x5]  }
0xe0: {  	[tilespmem:s20], [sflag:$0x1] =	stream.indirect_vreg.gather [hbm4b:s5+s3], $0x80, v3, vm0, $0xb8;
	[tilespmem:$0x19C00] =	vst v63  }
.LBB2_4:
0xe1: {  	_ =	swait.ge [sflag:s19], $0x4000  }
0xe2: {  	[sflag:s19] =	ssyncset.done $0x0  }
0xe3: {  	[sflag:s19] =	ssyncadd.s32 $0xFFFFC000  }
0xe4: {  	_ =	swait.ge [sflag:s19], $0x4000  }
0xe5: {  	[sflag:s19] =	ssyncset.done $0x0  }
0xe6: {  	s17 =	sadd.s32 $0x800, s16;
	s20 =	simm.s32 $0xE400;
	[sflag:s19] =	ssyncadd.s32 $0xFFFFC000  }
0xe7: {  	[tilespmem:s20], [sflag:$0x3] =	stream.linear.gather [hbm4b:s17+s3], $0x400, $0x38;
	[tilespmem:$0x19C00] =	vst v63  }
0xe8: {  	s20 =	sadd.s32 $0x880, s16  }
0xe9: {  	[tilespmem:s21], [sflag:$0x3] =	stream.linear.gather [hbm4b:s20+s3], $0x400, $0x38;
	[tilespmem:$0x19C00] =	vst v63  }
0xea: {  	s20 =	sadd.s32 $0x900, s16  }
0xeb: {  	[tilespmem:s22], [sflag:$0x3] =	stream.linear.gather [hbm4b:s20+s3], $0x400, $0x38;
	[tilespmem:$0x19C00] =	vst v63  }
0xec: {  	s20 =	sadd.s32 $0x980, s16  }
0xed: {  	[tilespmem:s23], [sflag:$0x3] =	stream.linear.gather [hbm4b:s20+s3], $0x400, $0x38;
	[tilespmem:$0x19C00] =	vst v63  }
0xee: {  	s20 =	sadd.s32 $0xA00, s16  }
0xef: {  	[tilespmem:s24], [sflag:$0x3] =	stream.linear.gather [hbm4b:s20+s3], $0x400, $0x38;
	[tilespmem:$0x19C00] =	vst v63  }
0xf0: {  	s20 =	sadd.s32 $0xA80, s16  }
0xf1: {  	[tilespmem:s25], [sflag:$0x3] =	stream.linear.gather [hbm4b:s20+s3], $0x400, $0x38;
	[tilespmem:$0x19C00] =	vst v63  }
0xf2: {  	s20 =	sadd.s32 $0xB00, s16  }
0xf3: {  	[tilespmem:s28], [sflag:$0x3] =	stream.linear.gather [hbm4b:s20+s3], $0x400, $0x38;
	[tilespmem:$0x19C00] =	vst v63  }
0xf4: {  	s20 =	sadd.s32 $0xB80, s16  }
0xf5: {  	[tilespmem:s29], [sflag:$0x3] =	stream.linear.gather [hbm4b:s20+s3], $0x400, $0x38;
	[tilespmem:$0x19C00] =	vst v63  }
0xf6: {  	s20 =	sadd.s32 $0xC00, s16  }
0xf7: {  	[tilespmem:s30], [sflag:$0x3] =	stream.linear.gather [hbm4b:s20+s3], $0x400, $0x38;
	[tilespmem:$0x19C00] =	vst v63  }
0xf8: {  	s20 =	sadd.s32 $0xC80, s16  }
0xf9: {  	[tilespmem:s31], [sflag:$0x3] =	stream.linear.gather [hbm4b:s20+s3], $0x400, $0x38;
	[tilespmem:$0x19C00] =	vst v63  }
0xfa: {  	s20 =	sadd.s32 $0xD00, s16  }
0xfb: {  	[tilespmem:s1], [sflag:$0x3] =	stream.linear.gather [hbm4b:s20+s3], $0x400, $0x38;
	[tilespmem:$0x19C00] =	vst v63  }
0xfc: {  	s20 =	sadd.s32 $0xD80, s16  }
0xfd: {  	[tilespmem:s0], [sflag:$0x3] =	stream.linear.gather [hbm4b:s20+s3], $0x400, $0x38;
	[tilespmem:$0x19C00] =	vst v63  }
0xfe: {  	s20 =	sadd.s32 $0xE00, s16  }
0xff: {  	[tilespmem:s4], [sflag:$0x3] =	stream.linear.gather [hbm4b:s20+s3], $0x400, $0x38;
	[tilespmem:$0x19C00] =	vst v63  }
0x100: {  	s20 =	sadd.s32 $0xE80, s16  }
0x101: {  	[tilespmem:s6], [sflag:$0x3] =	stream.linear.gather [hbm4b:s20+s3], $0x400, $0x38;
	[tilespmem:$0x19C00] =	vst v63  }
0x102: {  	s20 =	sadd.s32 $0xF00, s16  }
0x103: {  	[tilespmem:s7], [sflag:$0x3] =	stream.linear.gather [hbm4b:s20+s3], $0x400, $0x38;
	[tilespmem:$0x19C00] =	vst v63  }
0x104: {  	s20 =	sadd.s32 $0xF80, s16  }
0x105: {  	[tilespmem:s9], [sflag:$0x3] =	stream.linear.gather [hbm4b:s20+s3], $0x400, $0x38;
	[tilespmem:$0x19C00] =	vst v63  }
0x106: {  	s14 =	sadd.s32 $0x1000, s14;
	_ =	swait.ge [sflag:s10], $0x4000  }
0x107: {  	p0 =	sne.s32 s14, $0x19000;
	[sflag:s10] =	ssyncset.done $0x0  }
.Ltmp3:
0x108: {  	[sflag:s10] =	ssyncadd.s32 $0xFFFFC000;
	(pc) =	sbr.rel @!p0 .LBB2_5-.Ltmp3, $4  }
0x109: {  	[hbm4b:s15+s3] =	stream.linear.scatter [tilespmem:s18], [sflag:$0x3], $0xC000, $0x38;
	[tilespmem:$0x19C00] =	vst v63  }
0x10a: {  	_ =	swait.ge [sflag:s10], $0xC000  }
0x10b: {  	s12 =	sadd.s32 $0x100, s12;
	[sflag:s10] =	ssyncset.done $0x0  }
0x10c: {  	s13 =	sadd.s32 $0x3000, s13;
	s15 =	sadd.s32 $0x3000, s15;
	[sflag:s10] =	ssyncadd.s32 $0xFFFF4000  }
.LBB2_2:
0x10d: {  	v3 =	vld [tilespmem:s12+$0xFFFFFFC0];
	_ =	sdelay $0x4  }
0x10e: {  	v4 =	vshrl.u32 v3, $0x3  }
0x10f: {  	v4 =	vmul.u32 $0x18, v4  }
0x110: {  	v3 =	vand.u32 $0x7, v3  }
0x111: {  	v3 =	vor.u32 v3, v4  }
0x112: {  	v4 =	vperm.xlane v3, v0;
	_ =	sdelay $0x1  }
0x113: {  	v3 =	vperm.xlane v3, v2;
	v4 =	vadd.s32 v1, v4;
	_ =	sdelay $0x1  }
0x114: {  	v3 =	vadd.s32 v1, v3;
	_ =	sdelay $0x2  }
0x115: {  	[tilespmem:s18], [sflag:$0x2] =	stream.indirect_vreg.gather [hbm4b:s2+s3], $0x80, v4, vm0, $0xb8;
	[tilespmem:$0x19C00] =	vst v63  }
0x116: {  	s16 =	simm.s32 $0xE800  }
0x117: {  	[tilespmem:s16], [sflag:$0x2] =	stream.indirect_vreg.gather [hbm4b:s2+s3], $0x80, v3, vm0, $0xb8;
	[tilespmem:$0x19C00] =	vst v63  }
0x118: {  	v3 =	vld [tilespmem:s12+$0xFFFFFFD0];
	_ =	sdelay $0x4  }
0x119: {  	v49 =	vshrl.u32 v3, $0x3  }
0x11a: {  	v4 =	vmul.u32 $0x18, v49  }
0x11b: {  	v3 =	vand.u32 $0x7, v3  }
0x11c: {  	v3 =	vor.u32 v3, v4  }
0x11d: {  	v4 =	vperm.xlane v3, v0;
	_ =	sdelay $0x1  }
0x11e: {  	v3 =	vperm.xlane v3, v2;
	v4 =	vadd.s32 v1, v4;
	_ =	sdelay $0x1  }
0x11f: {  	v3 =	vadd.s32 v1, v3;
	_ =	sdelay $0x1  }
0x120: {  	s17 =	simm.s32 $0xF400  }
0x121: {  	[tilespmem:s17], [sflag:$0x2] =	stream.indirect_vreg.gather [hbm4b:s2+s3], $0x80, v4, vm0, $0xb8;
	[tilespmem:$0x19C00] =	vst v63  }
0x122: {  	s20 =	simm.s32 $0x10000  }
0x123: {  	[tilespmem:s20], [sflag:$0x2] =	stream.indirect_vreg.gather [hbm4b:s2+s3], $0x80, v3, vm0, $0xb8;
	[tilespmem:$0x19C00] =	vst v63  }
0x124: {  	v3 =	vld [tilespmem:s12+$0xFFFFFFE0];
	_ =	sdelay $0x4  }
0x125: {  	v50 =	vshrl.u32 v3, $0x3  }
0x126: {  	v4 =	vmul.u32 $0x18, v50  }
0x127: {  	v3 =	vand.u32 $0x7, v3  }
0x128: {  	v3 =	vor.u32 v3, v4  }
0x129: {  	v4 =	vperm.xlane v3, v0;
	_ =	sdelay $0x1  }
0x12a: {  	v3 =	vperm.xlane v3, v2;
	v4 =	vadd.s32 v1, v4;
	_ =	sdelay $0x1  }
0x12b: {  	v3 =	vadd.s32 v1, v3;
	_ =	sdelay $0x1  }
0x12c: {  	s17 =	simm.s32 $0x10C00  }
0x12d: {  	[tilespmem:s17], [sflag:$0x2] =	stream.indirect_vreg.gather [hbm4b:s2+s3], $0x80, v4, vm0, $0xb8;
	[tilespmem:$0x19C00] =	vst v63  }
0x12e: {  	s20 =	simm.s32 $0x11800  }
0x12f: {  	[tilespmem:s20], [sflag:$0x2] =	stream.indirect_vreg.gather [hbm4b:s2+s3], $0x80, v3, vm0, $0xb8;
	[tilespmem:$0x19C00] =	vst v63  }
0x130: {  	v3 =	vld [tilespmem:s12+$0xFFFFFFF0];
	_ =	sdelay $0x4  }
0x131: {  	v51 =	vshrl.u32 v3, $0x3  }
0x132: {  	v4 =	vmul.u32 $0x18, v51  }
0x133: {  	v3 =	vand.u32 $0x7, v3  }
0x134: {  	v3 =	vor.u32 v3, v4  }
0x135: {  	v4 =	vperm.xlane v3, v0;
	_ =	sdelay $0x1  }
0x136: {  	v3 =	vperm.xlane v3, v2;
	v4 =	vadd.s32 v1, v4;
	_ =	sdelay $0x1  }
0x137: {  	v3 =	vadd.s32 v1, v3;
	_ =	sdelay $0x1  }
0x138: {  	s17 =	simm.s32 $0x12400  }
0x139: {  	[tilespmem:s17], [sflag:$0x2] =	stream.indirect_vreg.gather [hbm4b:s2+s3], $0x80, v4, vm0, $0xb8;
	[tilespmem:$0x19C00] =	vst v63  }
0x13a: {  	s20 =	simm.s32 $0x13000  }
0x13b: {  	[tilespmem:s20], [sflag:$0x2] =	stream.indirect_vreg.gather [hbm4b:s2+s3], $0x80, v3, vm0, $0xb8;
	[tilespmem:$0x19C00] =	vst v63  }
0x13c: {  	v3 =	vld [tilespmem:s12+$0x0];
	_ =	sdelay $0x4  }
0x13d: {  	v52 =	vshrl.u32 v3, $0x3  }
0x13e: {  	v4 =	vmul.u32 $0x18, v52  }
0x13f: {  	v3 =	vand.u32 $0x7, v3  }
0x140: {  	v3 =	vor.u32 v3, v4  }
0x141: {  	v4 =	vperm.xlane v3, v0;
	_ =	sdelay $0x1  }
0x142: {  	v3 =	vperm.xlane v3, v2;
	v4 =	vadd.s32 v1, v4;
	_ =	sdelay $0x1  }
0x143: {  	v3 =	vadd.s32 v1, v3;
	_ =	sdelay $0x1  }
0x144: {  	s17 =	simm.s32 $0x13C00  }
0x145: {  	[tilespmem:s17], [sflag:$0x2] =	stream.indirect_vreg.gather [hbm4b:s2+s3], $0x80, v4, vm0, $0xb8;
	[tilespmem:$0x19C00] =	vst v63  }
0x146: {  	s20 =	simm.s32 $0x14800  }
0x147: {  	[tilespmem:s20], [sflag:$0x2] =	stream.indirect_vreg.gather [hbm4b:s2+s3], $0x80, v3, vm0, $0xb8;
	[tilespmem:$0x19C00] =	vst v63  }
0x148: {  	v3 =	vld [tilespmem:s12+$0x10];
	_ =	sdelay $0x4  }
0x149: {  	v53 =	vshrl.u32 v3, $0x3  }
0x14a: {  	v4 =	vmul.u32 $0x18, v53  }
0x14b: {  	v3 =	vand.u32 $0x7, v3  }
0x14c: {  	v3 =	vor.u32 v3, v4  }
0x14d: {  	v4 =	vperm.xlane v3, v0;
	_ =	sdelay $0x1  }
0x14e: {  	v3 =	vperm.xlane v3, v2;
	v4 =	vadd.s32 v1, v4;
	_ =	sdelay $0x1  }
0x14f: {  	v3 =	vadd.s32 v1, v3;
	_ =	sdelay $0x1  }
0x150: {  	s17 =	simm.s32 $0x15400  }
0x151: {  	[tilespmem:s17], [sflag:$0x2] =	stream.indirect_vreg.gather [hbm4b:s2+s3], $0x80, v4, vm0, $0xb8;
	[tilespmem:$0x19C00] =	vst v63  }
0x152: {  	s20 =	simm.s32 $0x16000  }
0x153: {  	[tilespmem:s20], [sflag:$0x2] =	stream.indirect_vreg.gather [hbm4b:s2+s3], $0x80, v3, vm0, $0xb8;
	[tilespmem:$0x19C00] =	vst v63  }
0x154: {  	v3 =	vld [tilespmem:s12+$0x20];
	_ =	sdelay $0x4  }
0x155: {  	v54 =	vshrl.u32 v3, $0x3  }
0x156: {  	v4 =	vmul.u32 $0x18, v54  }
0x157: {  	v3 =	vand.u32 $0x7, v3  }
0x158: {  	v3 =	vor.u32 v3, v4  }
0x159: {  	v4 =	vperm.xlane v3, v0;
	_ =	sdelay $0x1  }
0x15a: {  	v3 =	vperm.xlane v3, v2;
	v4 =	vadd.s32 v1, v4;
	_ =	sdelay $0x1  }
0x15b: {  	v3 =	vadd.s32 v1, v3;
	_ =	sdelay $0x1  }
0x15c: {  	s17 =	simm.s32 $0x16C00  }
0x15d: {  	[tilespmem:s17], [sflag:$0x2] =	stream.indirect_vreg.gather [hbm4b:s2+s3], $0x80, v4, vm0, $0xb8;
	[tilespmem:$0x19C00] =	vst v63  }
0x15e: {  	s20 =	simm.s32 $0x17800  }
0x15f: {  	[tilespmem:s20], [sflag:$0x2] =	stream.indirect_vreg.gather [hbm4b:s2+s3], $0x80, v3, vm0, $0xb8;
	[tilespmem:$0x19C00] =	vst v63  }
0x160: {  	v3 =	vld [tilespmem:s12+$0x30];
	_ =	sdelay $0x4  }
0x161: {  	v55 =	vshrl.u32 v3, $0x3  }
0x162: {  	v4 =	vmul.u32 $0x18, v55  }
0x163: {  	v3 =	vand.u32 $0x7, v3  }
0x164: {  	v3 =	vor.u32 v3, v4  }
0x165: {  	v4 =	vperm.xlane v3, v0;
	_ =	sdelay $0x1  }
0x166: {  	v3 =	vperm.xlane v3, v2;
	v4 =	vadd.s32 v1, v4;
	_ =	sdelay $0x1  }
0x167: {  	v3 =	vadd.s32 v1, v3;
	_ =	sdelay $0x1  }
0x168: {  	s17 =	simm.s32 $0x18400  }
0x169: {  	[tilespmem:s17], [sflag:$0x2] =	stream.indirect_vreg.gather [hbm4b:s2+s3], $0x80, v4, vm0, $0xb8;
	[tilespmem:$0x19C00] =	vst v63  }
0x16a: {  	s20 =	simm.s32 $0x19000  }
0x16b: {  	[tilespmem:s20], [sflag:$0x2] =	stream.indirect_vreg.gather [hbm4b:s2+s3], $0x80, v3, vm0, $0xb8;
	[tilespmem:$0x19C00] =	vst v63  }
0x16c: {  	v3 =	vld [tilespmem:s12+$0xFFFFFFC0];
	_ =	sdelay $0x4  }
0x16d: {  	v56 =	vshrl.u32 v3, $0x3  }
0x16e: {  	v4 =	vmul.u32 $0x18, v56  }
0x16f: {  	v3 =	vand.u32 $0x7, v3  }
0x170: {  	v3 =	vor.u32 v3, v4  }
0x171: {  	v4 =	vperm.xlane v3, v0;
	_ =	sdelay $0x1  }
0x172: {  	v3 =	vperm.xlane v3, v2;
	v4 =	vadd.s32 v1, v4;
	_ =	sdelay $0x1  }
0x173: {  	v3 =	vadd.s32 v1, v3;
	_ =	sdelay $0x1  }
0x174: {  	s17 =	simm.s32 $0xE000  }
0x175: {  	[tilespmem:s17], [sflag:$0x2] =	stream.indirect_vreg.gather [hbm4b:s5+s3], $0x80, v4, vm0, $0xb8;
	[tilespmem:$0x19C00] =	vst v63  }
0x176: {  	s20 =	simm.s32 $0xEC00  }
0x177: {  	[tilespmem:s20], [sflag:$0x2] =	stream.indirect_vreg.gather [hbm4b:s5+s3], $0x80, v3, vm0, $0xb8;
	[tilespmem:$0x19C00] =	vst v63  }
0x178: {  	v3 =	vld [tilespmem:s12+$0xFFFFFFD0];
	_ =	sdelay $0x4  }
0x179: {  	v57 =	vshrl.u32 v3, $0x3  }
0x17a: {  	v4 =	vmul.u32 $0x18, v57  }
0x17b: {  	v3 =	vand.u32 $0x7, v3  }
0x17c: {  	v3 =	vor.u32 v3, v4  }
0x17d: {  	v4 =	vperm.xlane v3, v0;
	_ =	sdelay $0x1  }
0x17e: {  	v3 =	vperm.xlane v3, v2;
	v4 =	vadd.s32 v1, v4;
	_ =	sdelay $0x1  }
0x17f: {  	v3 =	vadd.s32 v1, v3;
	_ =	sdelay $0x1  }
0x180: {  	s17 =	simm.s32 $0xF800  }
0x181: {  	[tilespmem:s17], [sflag:$0x2] =	stream.indirect_vreg.gather [hbm4b:s5+s3], $0x80, v4, vm0, $0xb8;
	[tilespmem:$0x19C00] =	vst v63  }
0x182: {  	s20 =	simm.s32 $0x10400  }
0x183: {  	[tilespmem:s20], [sflag:$0x2] =	stream.indirect_vreg.gather [hbm4b:s5+s3], $0x80, v3, vm0, $0xb8;
	[tilespmem:$0x19C00] =	vst v63  }
0x184: {  	v3 =	vld [tilespmem:s12+$0xFFFFFFE0];
	_ =	sdelay $0x4  }
0x185: {  	v58 =	vshrl.u32 v3, $0x3  }
0x186: {  	v4 =	vmul.u32 $0x18, v58  }
0x187: {  	v3 =	vand.u32 $0x7, v3  }
0x188: {  	v3 =	vor.u32 v3, v4  }
0x189: {  	v4 =	vperm.xlane v3, v0;
	_ =	sdelay $0x1  }
0x18a: {  	v3 =	vperm.xlane v3, v2;
	v4 =	vadd.s32 v1, v4;
	_ =	sdelay $0x1  }
0x18b: {  	v3 =	vadd.s32 v1, v3;
	_ =	sdelay $0x1  }
0x18c: {  	s17 =	simm.s32 $0x11000  }
0x18d: {  	[tilespmem:s17], [sflag:$0x2] =	stream.indirect_vreg.gather [hbm4b:s5+s3], $0x80, v4, vm0, $0xb8;
	[tilespmem:$0x19C00] =	vst v63  }
0x18e: {  	s20 =	simm.s32 $0x11C00  }
0x18f: {  	[tilespmem:s20], [sflag:$0x2] =	stream.indirect_vreg.gather [hbm4b:s5+s3], $0x80, v3, vm0, $0xb8;
	[tilespmem:$0x19C00] =	vst v63  }
0x190: {  	v3 =	vld [tilespmem:s12+$0xFFFFFFF0];
	_ =	sdelay $0x4  }
0x191: {  	v59 =	vshrl.u32 v3, $0x3  }
0x192: {  	v4 =	vmul.u32 $0x18, v59  }
0x193: {  	v3 =	vand.u32 $0x7, v3  }
0x194: {  	v3 =	vor.u32 v3, v4  }
0x195: {  	v4 =	vperm.xlane v3, v0;
	_ =	sdelay $0x1  }
0x196: {  	v3 =	vperm.xlane v3, v2;
	v4 =	vadd.s32 v1, v4;
	_ =	sdelay $0x1  }
0x197: {  	v3 =	vadd.s32 v1, v3;
	_ =	sdelay $0x1  }
0x198: {  	s17 =	simm.s32 $0x12800  }
0x199: {  	[tilespmem:s17], [sflag:$0x2] =	stream.indirect_vreg.gather [hbm4b:s5+s3], $0x80, v4, vm0, $0xb8;
	[tilespmem:$0x19C00] =	vst v63  }
0x19a: {  	s20 =	simm.s32 $0x13400  }
0x19b: {  	[tilespmem:s20], [sflag:$0x2] =	stream.indirect_vreg.gather [hbm4b:s5+s3], $0x80, v3, vm0, $0xb8;
	[tilespmem:$0x19C00] =	vst v63  }
0x19c: {  	v3 =	vld [tilespmem:s12+$0x0];
	_ =	sdelay $0x4  }
0x19d: {  	v60 =	vshrl.u32 v3, $0x3  }
0x19e: {  	v4 =	vmul.u32 $0x18, v60  }
0x19f: {  	v3 =	vand.u32 $0x7, v3  }
0x1a0: {  	v3 =	vor.u32 v3, v4  }
0x1a1: {  	v4 =	vperm.xlane v3, v0;
	_ =	sdelay $0x1  }
0x1a2: {  	v3 =	vperm.xlane v3, v2;
	v4 =	vadd.s32 v1, v4;
	_ =	sdelay $0x1  }
0x1a3: {  	v3 =	vadd.s32 v1, v3;
	_ =	sdelay $0x1  }
0x1a4: {  	s17 =	simm.s32 $0x14000  }
0x1a5: {  	[tilespmem:s17], [sflag:$0x2] =	stream.indirect_vreg.gather [hbm4b:s5+s3], $0x80, v4, vm0, $0xb8;
	[tilespmem:$0x19C00] =	vst v63  }
0x1a6: {  	s20 =	simm.s32 $0x14C00  }
0x1a7: {  	[tilespmem:s20], [sflag:$0x2] =	stream.indirect_vreg.gather [hbm4b:s5+s3], $0x80, v3, vm0, $0xb8;
	[tilespmem:$0x19C00] =	vst v63  }
0x1a8: {  	v3 =	vld [tilespmem:s12+$0x10];
	_ =	sdelay $0x4  }
0x1a9: {  	v61 =	vshrl.u32 v3, $0x3  }
0x1aa: {  	v4 =	vmul.u32 $0x18, v61  }
0x1ab: {  	v3 =	vand.u32 $0x7, v3  }
0x1ac: {  	v3 =	vor.u32 v3, v4  }
0x1ad: {  	v4 =	vperm.xlane v3, v0;
	_ =	sdelay $0x1  }
0x1ae: {  	v3 =	vperm.xlane v3, v2;
	v4 =	vadd.s32 v1, v4;
	_ =	sdelay $0x1  }
0x1af: {  	v3 =	vadd.s32 v1, v3;
	_ =	sdelay $0x1  }
0x1b0: {  	s17 =	simm.s32 $0x15800  }
0x1b1: {  	[tilespmem:s17], [sflag:$0x2] =	stream.indirect_vreg.gather [hbm4b:s5+s3], $0x80, v4, vm0, $0xb8;
	[tilespmem:$0x19C00] =	vst v63  }
0x1b2: {  	s20 =	simm.s32 $0x16400  }
0x1b3: {  	[tilespmem:s20], [sflag:$0x2] =	stream.indirect_vreg.gather [hbm4b:s5+s3], $0x80, v3, vm0, $0xb8;
	[tilespmem:$0x19C00] =	vst v63  }
0x1b4: {  	v3 =	vld [tilespmem:s12+$0x20];
	_ =	sdelay $0x4  }
0x1b5: {  	v62 =	vshrl.u32 v3, $0x3  }
0x1b6: {  	v4 =	vmul.u32 $0x18, v62  }
0x1b7: {  	v3 =	vand.u32 $0x7, v3  }
0x1b8: {  	v3 =	vor.u32 v3, v4  }
0x1b9: {  	v4 =	vperm.xlane v3, v0;
	_ =	sdelay $0x1  }
0x1ba: {  	v3 =	vperm.xlane v3, v2;
	v4 =	vadd.s32 v1, v4;
	_ =	sdelay $0x1  }
0x1bb: {  	v3 =	vadd.s32 v1, v3;
	_ =	sdelay $0x1  }
0x1bc: {  	s17 =	simm.s32 $0x17000  }
0x1bd: {  	[tilespmem:s17], [sflag:$0x2] =	stream.indirect_vreg.gather [hbm4b:s5+s3], $0x80, v4, vm0, $0xb8;
	[tilespmem:$0x19C00] =	vst v63  }
0x1be: {  	s20 =	simm.s32 $0x17C00  }
0x1bf: {  	[tilespmem:s20], [sflag:$0x2] =	stream.indirect_vreg.gather [hbm4b:s5+s3], $0x80, v3, vm0, $0xb8;
	[tilespmem:$0x19C00] =	vst v63  }
0x1c0: {  	v3 =	vld [tilespmem:s12+$0x30];
	_ =	sdelay $0x4  }
0x1c1: {  	v63 =	vshrl.u32 v3, $0x3  }
0x1c2: {  	v4 =	vmul.u32 $0x18, v63  }
0x1c3: {  	v3 =	vand.u32 $0x7, v3  }
0x1c4: {  	v3 =	vor.u32 v3, v4  }
0x1c5: {  	v4 =	vperm.xlane v3, v0;
	_ =	sdelay $0x1  }
0x1c6: {  	v3 =	vperm.xlane v3, v2;
	v4 =	vadd.s32 v1, v4;
	_ =	sdelay $0x1  }
0x1c7: {  	v3 =	vadd.s32 v1, v3;
	_ =	sdelay $0x1  }
0x1c8: {  	s17 =	simm.s32 $0x18800  }
0x1c9: {  	[tilespmem:s17], [sflag:$0x2] =	stream.indirect_vreg.gather [hbm4b:s5+s3], $0x80, v4, vm0, $0xb8;
	[tilespmem:$0x19C00] =	vst v63  }
0x1ca: {  	s20 =	simm.s32 $0x19400  }
0x1cb: {  	[tilespmem:s20], [sflag:$0x2] =	stream.indirect_vreg.gather [hbm4b:s5+s3], $0x80, v3, vm0, $0xb8;
	[tilespmem:$0x19C00] =	vst v63  }
0x1cc: {  	_ =	swait.ge [sflag:s26], $0x4000  }
0x1cd: {  	[sflag:s26] =	ssyncset.done $0x0  }
0x1ce: {  	[sflag:s26] =	ssyncadd.s32 $0xFFFFC000  }
0x1cf: {  	_ =	swait.ge [sflag:s26], $0x4000  }
0x1d0: {  	[sflag:s26] =	ssyncset.done $0x0  }
0x1d1: {  	s16 =	sadd.s32 s14, s8;
	s17 =	simm.s32 $0x2400;
	[sflag:s26] =	ssyncadd.s32 $0xFFFFC000  }
0x1d2: {  	[tilespmem:s17], [sflag:$0x3] =	stream.linear.gather [hbm4b:s16+s3], $0x400, $0x38;
	[tilespmem:$0x19C00] =	vst v63  }
0x1d3: {  	s20 =	simm.s32 $0x3000;
	s17 =	sadd.s32 $0x80, s16  }
0x1d4: {  	[tilespmem:s20], [sflag:$0x3] =	stream.linear.gather [hbm4b:s17+s3], $0x400, $0x38;
	[tilespmem:$0x19C00] =	vst v63  }
0x1d5: {  	s17 =	sadd.s32 $0x100, s16;
	s20 =	simm.s32 $0x3C00  }
0x1d6: {  	[tilespmem:s20], [sflag:$0x3] =	stream.linear.gather [hbm4b:s17+s3], $0x400, $0x38;
	[tilespmem:$0x19C00] =	vst v63  }
0x1d7: {  	s17 =	sadd.s32 $0x180, s16;
	s20 =	simm.s32 $0x4800  }
0x1d8: {  	[tilespmem:s20], [sflag:$0x3] =	stream.linear.gather [hbm4b:s17+s3], $0x400, $0x38;
	[tilespmem:$0x19C00] =	vst v63  }
0x1d9: {  	s17 =	sadd.s32 $0x200, s16;
	s20 =	simm.s32 $0x5400  }
0x1da: {  	[tilespmem:s20], [sflag:$0x3] =	stream.linear.gather [hbm4b:s17+s3], $0x400, $0x38;
	[tilespmem:$0x19C00] =	vst v63  }
0x1db: {  	s17 =	sadd.s32 $0x280, s16;
	s20 =	simm.s32 $0x6000  }
0x1dc: {  	[tilespmem:s20], [sflag:$0x3] =	stream.linear.gather [hbm4b:s17+s3], $0x400, $0x38;
	[tilespmem:$0x19C00] =	vst v63  }
0x1dd: {  	s17 =	sadd.s32 $0x300, s16;
	s20 =	simm.s32 $0x6C00  }
0x1de: {  	[tilespmem:s20], [sflag:$0x3] =	stream.linear.gather [hbm4b:s17+s3], $0x400, $0x38;
	[tilespmem:$0x19C00] =	vst v63  }
0x1df: {  	s17 =	sadd.s32 $0x380, s16;
	s20 =	simm.s32 $0x7800  }
0x1e0: {  	[tilespmem:s20], [sflag:$0x3] =	stream.linear.gather [hbm4b:s17+s3], $0x400, $0x38;
	[tilespmem:$0x19C00] =	vst v63  }
0x1e1: {  	s17 =	sadd.s32 $0x400, s16;
	s20 =	simm.s32 $0x8400  }
0x1e2: {  	[tilespmem:s20], [sflag:$0x3] =	stream.linear.gather [hbm4b:s17+s3], $0x400, $0x38;
	[tilespmem:$0x19C00] =	vst v63  }
0x1e3: {  	s17 =	sadd.s32 $0x480, s16;
	s20 =	simm.s32 $0x9000  }
0x1e4: {  	[tilespmem:s20], [sflag:$0x3] =	stream.linear.gather [hbm4b:s17+s3], $0x400, $0x38;
	[tilespmem:$0x19C00] =	vst v63  }
0x1e5: {  	s17 =	sadd.s32 $0x500, s16;
	s20 =	simm.s32 $0x9C00  }
0x1e6: {  	[tilespmem:s20], [sflag:$0x3] =	stream.linear.gather [hbm4b:s17+s3], $0x400, $0x38;
	[tilespmem:$0x19C00] =	vst v63  }
0x1e7: {  	s17 =	sadd.s32 $0x580, s16;
	s20 =	simm.s32 $0xA800  }
0x1e8: {  	[tilespmem:s20], [sflag:$0x3] =	stream.linear.gather [hbm4b:s17+s3], $0x400, $0x38;
	[tilespmem:$0x19C00] =	vst v63  }
0x1e9: {  	s17 =	sadd.s32 $0x600, s16;
	s20 =	simm.s32 $0xB400  }
0x1ea: {  	[tilespmem:s20], [sflag:$0x3] =	stream.linear.gather [hbm4b:s17+s3], $0x400, $0x38;
	[tilespmem:$0x19C00] =	vst v63  }
0x1eb: {  	s17 =	sadd.s32 $0x680, s16;
	s20 =	simm.s32 $0xC000  }
0x1ec: {  	[tilespmem:s20], [sflag:$0x3] =	stream.linear.gather [hbm4b:s17+s3], $0x400, $0x38;
	[tilespmem:$0x19C00] =	vst v63  }
0x1ed: {  	s17 =	sadd.s32 $0x700, s16;
	s20 =	simm.s32 $0xCC00  }
0x1ee: {  	[tilespmem:s20], [sflag:$0x3] =	stream.linear.gather [hbm4b:s17+s3], $0x400, $0x38;
	[tilespmem:$0x19C00] =	vst v63  }
0x1ef: {  	s17 =	sadd.s32 $0x780, s16;
	s20 =	simm.s32 $0xD800  }
0x1f0: {  	[tilespmem:s20], [sflag:$0x3] =	stream.linear.gather [hbm4b:s17+s3], $0x400, $0x38;
	[tilespmem:$0x19C00] =	vst v63  }
0x1f1: {  	_ =	swait.ge [sflag:s10], $0x4000  }
0x1f2: {  	p0 =	seq.s32 s14, $0x18000;
	[sflag:s10] =	ssyncset.done $0x0  }
.Ltmp4:
0x1f3: {  	[sflag:s10] =	ssyncadd.s32 $0xFFFFC000;
	(pc) =	sbr.rel @p0 .LBB2_4-.Ltmp4, $4  }
0x1f4: {  	[hbm4b:s13+s3] =	stream.linear.scatter [tilespmem:s11], [sflag:$0x3], $0xC000, $0x38;
	[tilespmem:$0x19C00] =	vst v63  }
0x1f5: {  	_ =	swait.ge [sflag:s10], $0xC000  }
0x1f6: {  	[sflag:s10] =	ssyncset.done $0x0  }
0x1f7: {  	[sflag:s10] =	ssyncadd.s32 $0xFFFF4000  }
0x1f8: {  	v3 =	vld [tilespmem:s12+$0x40];
	_ =	sdelay $0x4  }
0x1f9: {  	v4 =	vshrl.u32 v3, $0x3  }
0x1fa: {  	v4 =	vmul.u32 $0x18, v4  }
0x1fb: {  	v3 =	vand.u32 $0x7, v3  }
0x1fc: {  	v3 =	vor.u32 v3, v4  }
0x1fd: {  	v4 =	vperm.xlane v3, v0;
	_ =	sdelay $0x1  }
0x1fe: {  	v3 =	vperm.xlane v3, v2;
	v4 =	vadd.s32 v1, v4;
	_ =	sdelay $0x1  }
0x1ff: {  	v3 =	vadd.s32 v1, v3;
	_ =	sdelay $0x2  }
0x200: {  	[tilespmem:s11], [sflag:$0x1] =	stream.indirect_vreg.gather [hbm4b:s2+s3], $0x80, v4, vm0, $0xb8;
	[tilespmem:$0x19C00] =	vst v63  }
0x201: {  	s17 =	simm.s32 $0x2800  }
0x202: {  	[tilespmem:s17], [sflag:$0x1] =	stream.indirect_vreg.gather [hbm4b:s2+s3], $0x80, v3, vm0, $0xb8;
	[tilespmem:$0x19C00] =	vst v63  }
0x203: {  	v3 =	vld [tilespmem:s12+$0x50];
	_ =	sdelay $0x4  }
0x204: {  	v49 =	vshrl.u32 v3, $0x3  }
0x205: {  	v4 =	vmul.u32 $0x18, v49  }
0x206: {  	v3 =	vand.u32 $0x7, v3  }
0x207: {  	v3 =	vor.u32 v3, v4  }
0x208: {  	v4 =	vperm.xlane v3, v0;
	_ =	sdelay $0x1  }
0x209: {  	v3 =	vperm.xlane v3, v2;
	v4 =	vadd.s32 v1, v4;
	_ =	sdelay $0x1  }
0x20a: {  	v3 =	vadd.s32 v1, v3;
	_ =	sdelay $0x1  }
0x20b: {  	s20 =	simm.s32 $0x3400  }
0x20c: {  	[tilespmem:s20], [sflag:$0x1] =	stream.indirect_vreg.gather [hbm4b:s2+s3], $0x80, v4, vm0, $0xb8;
	[tilespmem:$0x19C00] =	vst v63  }
0x20d: {  	s20 =	simm.s32 $0x4000  }
0x20e: {  	[tilespmem:s20], [sflag:$0x1] =	stream.indirect_vreg.gather [hbm4b:s2+s3], $0x80, v3, vm0, $0xb8;
	[tilespmem:$0x19C00] =	vst v63  }
0x20f: {  	v3 =	vld [tilespmem:s12+$0x60];
	_ =	sdelay $0x4  }
0x210: {  	v50 =	vshrl.u32 v3, $0x3  }
0x211: {  	v4 =	vmul.u32 $0x18, v50  }
0x212: {  	v3 =	vand.u32 $0x7, v3  }
0x213: {  	v3 =	vor.u32 v3, v4  }
0x214: {  	v4 =	vperm.xlane v3, v0;
	_ =	sdelay $0x1  }
0x215: {  	v3 =	vperm.xlane v3, v2;
	v4 =	vadd.s32 v1, v4;
	_ =	sdelay $0x1  }
0x216: {  	v3 =	vadd.s32 v1, v3;
	_ =	sdelay $0x1  }
0x217: {  	s20 =	simm.s32 $0x4C00  }
0x218: {  	[tilespmem:s20], [sflag:$0x1] =	stream.indirect_vreg.gather [hbm4b:s2+s3], $0x80, v4, vm0, $0xb8;
	[tilespmem:$0x19C00] =	vst v63  }
0x219: {  	s20 =	simm.s32 $0x5800  }
0x21a: {  	[tilespmem:s20], [sflag:$0x1] =	stream.indirect_vreg.gather [hbm4b:s2+s3], $0x80, v3, vm0, $0xb8;
	[tilespmem:$0x19C00] =	vst v63  }
0x21b: {  	v3 =	vld [tilespmem:s12+$0x70];
	_ =	sdelay $0x4  }
0x21c: {  	v51 =	vshrl.u32 v3, $0x3  }
0x21d: {  	v4 =	vmul.u32 $0x18, v51  }
0x21e: {  	v3 =	vand.u32 $0x7, v3  }
0x21f: {  	v3 =	vor.u32 v3, v4  }
0x220: {  	v4 =	vperm.xlane v3, v0;
	_ =	sdelay $0x1  }
0x221: {  	v3 =	vperm.xlane v3, v2;
	v4 =	vadd.s32 v1, v4;
	_ =	sdelay $0x1  }
0x222: {  	v3 =	vadd.s32 v1, v3;
	_ =	sdelay $0x1  }
0x223: {  	s20 =	simm.s32 $0x6400  }
0x224: {  	[tilespmem:s20], [sflag:$0x1] =	stream.indirect_vreg.gather [hbm4b:s2+s3], $0x80, v4, vm0, $0xb8;
	[tilespmem:$0x19C00] =	vst v63  }
0x225: {  	s20 =	simm.s32 $0x7000  }
0x226: {  	[tilespmem:s20], [sflag:$0x1] =	stream.indirect_vreg.gather [hbm4b:s2+s3], $0x80, v3, vm0, $0xb8;
	[tilespmem:$0x19C00] =	vst v63  }
0x227: {  	v3 =	vld [tilespmem:s12+$0x80];
	_ =	sdelay $0x4  }
0x228: {  	v52 =	vshrl.u32 v3, $0x3  }
0x229: {  	v4 =	vmul.u32 $0x18, v52  }
0x22a: {  	v3 =	vand.u32 $0x7, v3  }
0x22b: {  	v3 =	vor.u32 v3, v4  }
0x22c: {  	v4 =	vperm.xlane v3, v0;
	_ =	sdelay $0x1  }
0x22d: {  	v3 =	vperm.xlane v3, v2;
	v4 =	vadd.s32 v1, v4;
	_ =	sdelay $0x1  }
0x22e: {  	v3 =	vadd.s32 v1, v3;
	_ =	sdelay $0x1  }
0x22f: {  	s20 =	simm.s32 $0x7C00  }
0x230: {  	[tilespmem:s20], [sflag:$0x1] =	stream.indirect_vreg.gather [hbm4b:s2+s3], $0x80, v4, vm0, $0xb8;
	[tilespmem:$0x19C00] =	vst v63  }
0x231: {  	s20 =	simm.s32 $0x8800  }
0x232: {  	[tilespmem:s20], [sflag:$0x1] =	stream.indirect_vreg.gather [hbm4b:s2+s3], $0x80, v3, vm0, $0xb8;
	[tilespmem:$0x19C00] =	vst v63  }
0x233: {  	v3 =	vld [tilespmem:s12+$0x90];
	_ =	sdelay $0x4  }
0x234: {  	v53 =	vshrl.u32 v3, $0x3  }
0x235: {  	v4 =	vmul.u32 $0x18, v53  }
0x236: {  	v3 =	vand.u32 $0x7, v3  }
0x237: {  	v3 =	vor.u32 v3, v4  }
0x238: {  	v4 =	vperm.xlane v3, v0;
	_ =	sdelay $0x1  }
0x239: {  	v3 =	vperm.xlane v3, v2;
	v4 =	vadd.s32 v1, v4;
	_ =	sdelay $0x1  }
0x23a: {  	v3 =	vadd.s32 v1, v3;
	_ =	sdelay $0x1  }
0x23b: {  	s20 =	simm.s32 $0x9400  }
0x23c: {  	[tilespmem:s20], [sflag:$0x1] =	stream.indirect_vreg.gather [hbm4b:s2+s3], $0x80, v4, vm0, $0xb8;
	[tilespmem:$0x19C00] =	vst v63  }
0x23d: {  	s20 =	simm.s32 $0xA000  }
0x23e: {  	[tilespmem:s20], [sflag:$0x1] =	stream.indirect_vreg.gather [hbm4b:s2+s3], $0x80, v3, vm0, $0xb8;
	[tilespmem:$0x19C00] =	vst v63  }
0x23f: {  	v3 =	vld [tilespmem:s12+$0xA0];
	_ =	sdelay $0x4  }
0x240: {  	v54 =	vshrl.u32 v3, $0x3  }
0x241: {  	v4 =	vmul.u32 $0x18, v54  }
0x242: {  	v3 =	vand.u32 $0x7, v3  }
0x243: {  	v3 =	vor.u32 v3, v4  }
0x244: {  	v4 =	vperm.xlane v3, v0;
	_ =	sdelay $0x1  }
0x245: {  	v3 =	vperm.xlane v3, v2;
	v4 =	vadd.s32 v1, v4;
	_ =	sdelay $0x1  }
0x246: {  	v3 =	vadd.s32 v1, v3;
	_ =	sdelay $0x1  }
0x247: {  	s20 =	simm.s32 $0xAC00  }
0x248: {  	[tilespmem:s20], [sflag:$0x1] =	stream.indirect_vreg.gather [hbm4b:s2+s3], $0x80, v4, vm0, $0xb8;
	[tilespmem:$0x19C00] =	vst v63  }
0x249: {  	s20 =	simm.s32 $0xB800  }
0x24a: {  	[tilespmem:s20], [sflag:$0x1] =	stream.indirect_vreg.gather [hbm4b:s2+s3], $0x80, v3, vm0, $0xb8;
	[tilespmem:$0x19C00] =	vst v63  }
0x24b: {  	v3 =	vld [tilespmem:s12+$0xB0];
	_ =	sdelay $0x4  }
0x24c: {  	v55 =	vshrl.u32 v3, $0x3  }
0x24d: {  	v4 =	vmul.u32 $0x18, v55  }
0x24e: {  	v3 =	vand.u32 $0x7, v3  }
0x24f: {  	v3 =	vor.u32 v3, v4  }
0x250: {  	v4 =	vperm.xlane v3, v0;
	_ =	sdelay $0x1  }
0x251: {  	v3 =	vperm.xlane v3, v2;
	v4 =	vadd.s32 v1, v4;
	_ =	sdelay $0x1  }
0x252: {  	v3 =	vadd.s32 v1, v3;
	_ =	sdelay $0x1  }
0x253: {  	s20 =	simm.s32 $0xC400  }
0x254: {  	[tilespmem:s20], [sflag:$0x1] =	stream.indirect_vreg.gather [hbm4b:s2+s3], $0x80, v4, vm0, $0xb8;
	[tilespmem:$0x19C00] =	vst v63  }
0x255: {  	s20 =	simm.s32 $0xD000  }
0x256: {  	[tilespmem:s20], [sflag:$0x1] =	stream.indirect_vreg.gather [hbm4b:s2+s3], $0x80, v3, vm0, $0xb8;
	[tilespmem:$0x19C00] =	vst v63  }
0x257: {  	v3 =	vld [tilespmem:s12+$0x40];
	_ =	sdelay $0x4  }
0x258: {  	v56 =	vshrl.u32 v3, $0x3  }
0x259: {  	v4 =	vmul.u32 $0x18, v56  }
0x25a: {  	v3 =	vand.u32 $0x7, v3  }
0x25b: {  	v3 =	vor.u32 v3, v4  }
0x25c: {  	v4 =	vperm.xlane v3, v0;
	_ =	sdelay $0x1  }
0x25d: {  	v3 =	vperm.xlane v3, v2;
	v4 =	vadd.s32 v1, v4;
	_ =	sdelay $0x1  }
0x25e: {  	v3 =	vadd.s32 v1, v3;
	_ =	sdelay $0x1  }
0x25f: {  	s20 =	simm.s32 $0x2000  }
0x260: {  	[tilespmem:s20], [sflag:$0x1] =	stream.indirect_vreg.gather [hbm4b:s5+s3], $0x80, v4, vm0, $0xb8;
	[tilespmem:$0x19C00] =	vst v63  }
0x261: {  	s20 =	simm.s32 $0x2C00  }
0x262: {  	[tilespmem:s20], [sflag:$0x1] =	stream.indirect_vreg.gather [hbm4b:s5+s3], $0x80, v3, vm0, $0xb8;
	[tilespmem:$0x19C00] =	vst v63  }
0x263: {  	v3 =	vld [tilespmem:s12+$0x50];
	_ =	sdelay $0x4  }
0x264: {  	v57 =	vshrl.u32 v3, $0x3  }
0x265: {  	v4 =	vmul.u32 $0x18, v57  }
0x266: {  	v3 =	vand.u32 $0x7, v3  }
0x267: {  	v3 =	vor.u32 v3, v4  }
0x268: {  	v4 =	vperm.xlane v3, v0;
	_ =	sdelay $0x1  }
0x269: {  	v3 =	vperm.xlane v3, v2;
	v4 =	vadd.s32 v1, v4;
	_ =	sdelay $0x1  }
0x26a: {  	v3 =	vadd.s32 v1, v3;
	_ =	sdelay $0x1  }
0x26b: {  	s20 =	simm.s32 $0x3800  }
0x26c: {  	[tilespmem:s20], [sflag:$0x1] =	stream.indirect_vreg.gather [hbm4b:s5+s3], $0x80, v4, vm0, $0xb8;
	[tilespmem:$0x19C00] =	vst v63  }
0x26d: {  	s20 =	simm.s32 $0x4400  }
0x26e: {  	[tilespmem:s20], [sflag:$0x1] =	stream.indirect_vreg.gather [hbm4b:s5+s3], $0x80, v3, vm0, $0xb8;
	[tilespmem:$0x19C00] =	vst v63  }
0x26f: {  	v3 =	vld [tilespmem:s12+$0x60];
	_ =	sdelay $0x4  }
0x270: {  	v58 =	vshrl.u32 v3, $0x3  }
0x271: {  	v4 =	vmul.u32 $0x18, v58  }
0x272: {  	v3 =	vand.u32 $0x7, v3  }
0x273: {  	v3 =	vor.u32 v3, v4  }
0x274: {  	v4 =	vperm.xlane v3, v0;
	_ =	sdelay $0x1  }
0x275: {  	v3 =	vperm.xlane v3, v2;
	v4 =	vadd.s32 v1, v4;
	_ =	sdelay $0x1  }
0x276: {  	v3 =	vadd.s32 v1, v3;
	_ =	sdelay $0x1  }
0x277: {  	s20 =	simm.s32 $0x5000  }
0x278: {  	[tilespmem:s20], [sflag:$0x1] =	stream.indirect_vreg.gather [hbm4b:s5+s3], $0x80, v4, vm0, $0xb8;
	[tilespmem:$0x19C00] =	vst v63  }
0x279: {  	s20 =	simm.s32 $0x5C00  }
0x27a: {  	[tilespmem:s20], [sflag:$0x1] =	stream.indirect_vreg.gather [hbm4b:s5+s3], $0x80, v3, vm0, $0xb8;
	[tilespmem:$0x19C00] =	vst v63  }
0x27b: {  	v3 =	vld [tilespmem:s12+$0x70];
	_ =	sdelay $0x4  }
0x27c: {  	v59 =	vshrl.u32 v3, $0x3  }
0x27d: {  	v4 =	vmul.u32 $0x18, v59  }
0x27e: {  	v3 =	vand.u32 $0x7, v3  }
0x27f: {  	v3 =	vor.u32 v3, v4  }
0x280: {  	v4 =	vperm.xlane v3, v0;
	_ =	sdelay $0x1  }
0x281: {  	v3 =	vperm.xlane v3, v2;
	v4 =	vadd.s32 v1, v4;
	_ =	sdelay $0x1  }
0x282: {  	v3 =	vadd.s32 v1, v3;
	_ =	sdelay $0x1  }
0x283: {  	s20 =	simm.s32 $0x6800  }
0x284: {  	[tilespmem:s20], [sflag:$0x1] =	stream.indirect_vreg.gather [hbm4b:s5+s3], $0x80, v4, vm0, $0xb8;
	[tilespmem:$0x19C00] =	vst v63  }
0x285: {  	s20 =	simm.s32 $0x7400  }
0x286: {  	[tilespmem:s20], [sflag:$0x1] =	stream.indirect_vreg.gather [hbm4b:s5+s3], $0x80, v3, vm0, $0xb8;
	[tilespmem:$0x19C00] =	vst v63  }
0x287: {  	v3 =	vld [tilespmem:s12+$0x80];
	_ =	sdelay $0x4  }
0x288: {  	v60 =	vshrl.u32 v3, $0x3  }
0x289: {  	v4 =	vmul.u32 $0x18, v60  }
0x28a: {  	v3 =	vand.u32 $0x7, v3  }
0x28b: {  	v3 =	vor.u32 v3, v4  }
0x28c: {  	v4 =	vperm.xlane v3, v0;
	_ =	sdelay $0x1  }
0x28d: {  	v3 =	vperm.xlane v3, v2;
	v4 =	vadd.s32 v1, v4;
	_ =	sdelay $0x1  }
0x28e: {  	v3 =	vadd.s32 v1, v3;
	_ =	sdelay $0x1  }
0x28f: {  	s20 =	simm.s32 $0x8000  }
0x290: {  	[tilespmem:s20], [sflag:$0x1] =	stream.indirect_vreg.gather [hbm4b:s5+s3], $0x80, v4, vm0, $0xb8;
	[tilespmem:$0x19C00] =	vst v63  }
0x291: {  	s20 =	simm.s32 $0x8C00  }
0x292: {  	[tilespmem:s20], [sflag:$0x1] =	stream.indirect_vreg.gather [hbm4b:s5+s3], $0x80, v3, vm0, $0xb8;
	[tilespmem:$0x19C00] =	vst v63  }
0x293: {  	v3 =	vld [tilespmem:s12+$0x90];
	_ =	sdelay $0x4  }
0x294: {  	v61 =	vshrl.u32 v3, $0x3  }
0x295: {  	v4 =	vmul.u32 $0x18, v61  }
0x296: {  	v3 =	vand.u32 $0x7, v3  }
0x297: {  	v3 =	vor.u32 v3, v4  }
0x298: {  	v4 =	vperm.xlane v3, v0;
	_ =	sdelay $0x1  }
0x299: {  	v3 =	vperm.xlane v3, v2;
	v4 =	vadd.s32 v1, v4;
	_ =	sdelay $0x1  }
0x29a: {  	v3 =	vadd.s32 v1, v3;
	_ =	sdelay $0x1  }
0x29b: {  	s20 =	simm.s32 $0x9800  }
0x29c: {  	[tilespmem:s20], [sflag:$0x1] =	stream.indirect_vreg.gather [hbm4b:s5+s3], $0x80, v4, vm0, $0xb8;
	[tilespmem:$0x19C00] =	vst v63  }
0x29d: {  	s20 =	simm.s32 $0xA400  }
0x29e: {  	[tilespmem:s20], [sflag:$0x1] =	stream.indirect_vreg.gather [hbm4b:s5+s3], $0x80, v3, vm0, $0xb8;
	[tilespmem:$0x19C00] =	vst v63  }
0x29f: {  	v3 =	vld [tilespmem:s12+$0xA0];
	_ =	sdelay $0x4  }
0x2a0: {  	v62 =	vshrl.u32 v3, $0x3  }
0x2a1: {  	v4 =	vmul.u32 $0x18, v62  }
0x2a2: {  	v3 =	vand.u32 $0x7, v3  }
0x2a3: {  	v3 =	vor.u32 v3, v4  }
0x2a4: {  	v4 =	vperm.xlane v3, v0;
	_ =	sdelay $0x1  }
0x2a5: {  	v3 =	vperm.xlane v3, v2;
	v4 =	vadd.s32 v1, v4;
	_ =	sdelay $0x1  }
0x2a6: {  	v3 =	vadd.s32 v1, v3;
	_ =	sdelay $0x1  }
0x2a7: {  	s20 =	simm.s32 $0xB000  }
0x2a8: {  	[tilespmem:s20], [sflag:$0x1] =	stream.indirect_vreg.gather [hbm4b:s5+s3], $0x80, v4, vm0, $0xb8;
	[tilespmem:$0x19C00] =	vst v63  }
0x2a9: {  	s20 =	simm.s32 $0xBC00  }
0x2aa: {  	[tilespmem:s20], [sflag:$0x1] =	stream.indirect_vreg.gather [hbm4b:s5+s3], $0x80, v3, vm0, $0xb8;
	[tilespmem:$0x19C00] =	vst v63  }
0x2ab: {  	v3 =	vld [tilespmem:s12+$0xB0];
	_ =	sdelay $0x4  }
0x2ac: {  	v63 =	vshrl.u32 v3, $0x3  }
0x2ad: {  	v4 =	vmul.u32 $0x18, v63  }
0x2ae: {  	v3 =	vand.u32 $0x7, v3  }
0x2af: {  	v3 =	vor.u32 v3, v4  }
0x2b0: {  	v4 =	vperm.xlane v3, v0;
	_ =	sdelay $0x1  }
0x2b1: {  	v3 =	vperm.xlane v3, v2;
	v4 =	vadd.s32 v1, v4;
	_ =	sdelay $0x1  }
0x2b2: {  	v3 =	vadd.s32 v1, v3  }
.Ltmp5:
0x2b3: {  	_ = 	snop;
	(pc) =	sbr.rel .LBB2_4-.Ltmp5, $4  }
0x2b4: {  	s20 =	simm.s32 $0xC800  }
0x2b5: {  	[tilespmem:s20], [sflag:$0x1] =	stream.indirect_vreg.gather [hbm4b:s5+s3], $0x80, v4, vm0, $0xb8;
	[tilespmem:$0x19C00] =	vst v63  }
0x2b6: {  	s20 =	simm.s32 $0xD400  }
0x2b7: {  	[tilespmem:s20], [sflag:$0x1] =	stream.indirect_vreg.gather [hbm4b:s5+s3], $0x80, v3, vm0, $0xb8;
	[tilespmem:$0x19C00] =	vst v63  }
.LBB2_6:
0x2b8: {  	_ =	sfence.sel $0x180000  }
0x2b9: {  	[bflag:$0x0] =	sbarrier.arrive $0xFFFF  }
0x2ba: {  	_ =	strace $0x90000047  }
0x2bb: {  	s0 =	stileid.u32;
	[bflag:$0x2] =	sbarrier.arrive $0xFFFF  }
0x2bc: {  	p0 =	sne.s32 s0, $0x0;
	s0 =	rddreg [dreg:$0x2]  }
0x2bd: {  	s0 =	sadd.s32 @!p0 $0x100000, s0  }
0x2be: {  	[sflag:s0] =	ssyncadd.tile.s32 @!p0 $0x1;
	_ =	shalt  }
.Lfunc_end2:
_tile_overlayer_lowered:
.L_overlay_start_2:
0x2bf: {  	(tag) =	ssettag $0x2  }
0x2c0: {  	s0 =	rddreg [dreg:$0x0];
	s2 =	stileid.u32  }
0x2c1: {  	s1 =	rddreg [dreg:$0x1];
	p0 =	sne.s32 s2, $0x0  }
0x2c2: {  	s3 =	rddreg [dreg:$0x2];
	[bflag:$0x3] =	sbarrier.arrive $0xFFFF;
	s2 =	simm.s32 @!p0 $0x1C03  }
0x2c3: {  	[timem:s3], [sflag:s2] =	dma.local @!p0 [hbm:s0], s1  }
0x2c4: {  	s0 =	simm.s32 @!p0 $0x3  }
0x2c5: {  	_ =	swait.ge @!p0 [sflag:s0], s1  }
0x2c6: {  	s1 =	ssub.s32 @!p0 $0x0, s1;
	[sflag:s0] =	ssyncset.done @!p0 $0x0  }
0x2c7: {  	[sflag:s0] =	ssyncadd.s32 @!p0 s1  }
0x2c8: {  	[bflag:$0x3] =	sbarrier.arrive $0xFFFF  }
0x2c9: {  	_ =	shalt  }

// kernel: sparse-core-data-format-call.cloned.1.call-start
scs
called_computation_lowered:
.L_overlay_start_0:
0x0: {  	s2 =	sld [smem:$0x3FD9]  }
0x1: {  	s3 =	sld [smem:$0x3FFE];
	_ =	sdelay $0x1  }
0x2: {  	s1 =	srdreg.scid  }
0x3: {  	s0 =	sand.u32 $0x1, s1  }
0x4: {  	s18 =	sshll.u32 s0, $0xA;
	s2 =	sadd.s32 s3, s2  }
0x5: {  	s2 =	sadd.s32 s2, s18  }
0x6: {  	[smem:$0x3FC6] =	sst s2  }
0x7: {  	_ = 	snop  }
0x8: {  	s2 =	sld [smem:$0x3FD0];
	(tm) =	ssettm $0x1  }
0x9: {  	s19 =	sld [smem:$0x3FFB];
	_ =	sdelay $0x3  }
0xa: {  	_ =	strace s19  }
0xb: {  	s3 =	sld [smem:$0x3FFC];
	_ =	sdelay $0x3  }
0xc: {  	_ =	strace s3  }
0xd: {  	s3 =	sld [smem:$0x3FFD];
	_ =	sdelay $0x3  }
0xe: {  	_ =	strace s3  }
0xf: {  	_ =	strace $0x8FFFFFFF  }
0x10: {  	s20 =	sld [smem:$0x3FDB];
	_ =	sdelay $0x1  }
0x11: {  	s4 =	simm.s32 $_scs_section_size  }
0x12: {  	s5 =	simm.s32 $_size__tile_overlayer_lowered;
	s6 =	simm.s32 $_tile_overlayer_lowered  }
0x13: {  	s23 =	simm.s32 $0x1BFF;
	s22 =	sshll.u32 s6, $0x1;
	s3 =	sadd.s32 s4, s20  }
0x14: {  	s7 =	simm.s32 $0x0;
	s21 =	sshll.u32 s5, $0x1;
	s5 =	sadd.s32 s22, s3  }
0x15: {  	[timem:s7], [sflag:s23] =	dma.local [hbm:s5], s21  }
0x16: {  	_ =	swait.ge [sflag:s23], s21  }
0x17: {  	s4 =	ssub.s32 $0x0, s21;
	[sflag:s23] =	ssyncset.done $0x0  }
0x18: {  	[sflag:s23] =	ssyncadd.s32 s4;
	_ =	sdelay $0x1  }
0x19: {  	s24 =	simm.s32 $0x1B8B  }
0x1a: {  	_ =	swait.ge [sflag:s24], $0x1  }
0x1b: {  	[sflag:s24] =	ssyncset.done $0x0  }
0x1c: {  	s26 =	simm.s32 $0x1B8E;
	s25 =	sld [smem:$0x3FFE];
	[sflag:s24] =	ssyncadd.s32 $0xFFFFFFFF  }
0x1d: {  	s27 =	simm.s32 $execute0_lowered;
	[smem:$0x3FD2] =	sst s26  }
0x1e: {  	s5 =	sshll.u32 s27, $0x1;
	_ =	strace $0x80000049;
	[dreg:$0x1] =	wrdreg $0xFFFFFFFF  }
0x1f: {  	s28 =	simm.s32 $_size_execute0_lowered;
	s3 =	sadd.s32 s3, s5;
	[dreg:$0x0] =	wrdreg $0x0  }
0x20: {  	s5 =	sshll.u32 s28, $0x1;
	[dreg:$0x2] =	wrdreg s3  }
0x21: {  	[dreg:$0x3] =	wrdreg s5  }
0x22: {  	[dreg:$0x4] =	wrdreg $0xC0  }
0x23: {  	_ =	task [dreg:s7], $0x5FFFF  }
0x24: {  	[dreg:$0x1] =	wrdreg $0xFFFFFFFF  }
0x25: {  	[dreg:$0x0] =	wrdreg $0x60  }
0x26: {  	[dreg:$0x2] =	wrdreg s25  }
0x27: {  	[dreg:$0x3] =	wrdreg s2  }
0x28: {  	[dreg:$0x4] =	wrdreg $0x9  }
0x29: {  	_ =	task.clear_ibuf [dreg:s7], $0x5FFFF;
	_ =	strace $0x90000049  }
0x2a: {  	s29 =	simm.s32 $0x9;
	_ =	strace $0x8000004B  }
0x2b: {  	_ =	swait.ge [sflag:s29], $0x1  }
0x2c: {  	[sflag:s29] =	ssyncadd.s32 $0xFFFFFFFF  }
0x2d: {  	_ =	strace $0x9000004B  }
0x2e: {  	_ =	sfence  }
0x2f: {  	s30 =	sld [smem:$0x0];
	_ =	sdelay $0x2  }
0x30: {  	s31 =	sshll.u32 s1, $0xD;
	s1 =	sshrl.u32 s1, $0x2  }
0x31: {  	s3 =	sand.u32 $0x4000, s31;
	s1 =	sadd.s32 s1, s30  }
0x32: {  	s0 =	sor.u32 s3, s0;
	s1 =	sshll.u32 s1, $0x11  }
0x33: {  	s0 =	sor.u32 s1, s0  }
0x34: {  	s0 =	sadd.s32 $0x8F2B, s0  }
0x35: {  	[sflag:s0] =	ssyncadd.remote.s32 $0x1  }
0x36: {  	_ =	sfence.sel $0xFFFF  }
0x37: {  	[dreg:$0x0] =	wrdreg $0xFFFFFFFF;
	(pc) =	sbr.abs _section_cstart, $3  }
0x38: {  	[dreg:$0x1] =	wrdreg $0xFFFFFFFF  }
0x39: {  	_ =	task.clear_ibuf [dreg:s7], $0x2FFFF;
	_ =	strace $0x9FFFFFFF  }
0x3a: {  	(tm) =	ssettm $0x7FFFFFFF  }
0x3b: {  	_ =	shalt  }
tec
execute0_lowered:
.L_overlay_start_1:
0x0: {  	(tag) =	ssettag $0x1  }
0x1: {  	s0 =	srdreg.scid;
	s6 =	rddreg [dreg:$0x0]  }
0x2: {  	s3 =	rddreg [dreg:$0x1];
	s1 =	sshll.u32 s0, $0x4  }
0x3: {  	s5 =	simm.s32 $0x1;
	s0 =	stileid.u32;
	s1 =	sand.u32 $0x10, s1  }
0x4: {  	s31 =	simm.s32 $0x2;
	s16 =	simm.s32 $0x0;
	s1 =	sor.u32 s0, s1  }
0x5: {  	s8 =	simm.s32 $0x8000;
	s18 =	simm.s32 $0x0;
	s2 =	sshll.u32 s1, $0x7  }
0x6: {  	s17 =	simm.s32 $0x0;
	s9 =	simm.s32 $0x0;
	s4 =	ssub.s32 $0x1000, s2  }
0x7: {  	s10 =	simm.s32 $0x0;
	s11 =	simm.s32 $0x0;
	s30 =	sand.u32 $0xF80, s4  }
0x8: {  	s12 =	simm.s32 $0x0;
	s13 =	simm.s32 $0x0;
	p0 =	sne.s32 s30, $0x0  }
.Ltmp0:
0x9: {  	s7 =	sshrl.u32 s4, $0xC;
	s5 =	simm.s32 @!p0 $0x0;
	(pc) =	sbr.rel .LBB1_1-.Ltmp0, $4  }
0xa: {  	s15 =	simm.s32 $0x0;
	s1 =	rddreg [dreg:$0x2];
	s5 =	sadd.s32 s5, s7  }
0xb: {  	_ =	strace $0x8000004A;
	s4 =	simm.s32 $0x1;
	s5 =	smul.u32 $0x96, s5  }
0xc: {  	s6 =	sadd.s32 $0xE0E200, s6;
	s14 =	smov.u32 s2;
	[sflag:s4] =	ssyncpa.u1 $0x0  }
0xd: {  	[sflag:s31] =	ssyncpa.u1 $0x0;
	p0 =	por $0x0, $0x0;
	s7 =	sor.u32 $0x1, s5  }
.LBB1_4:
0xe: {  	s23 =	sshra.s32 s23, $0x2;
	s30 =	sshll.u32 s9, $0xC  }
0xf: {  	p1 =	sgt.s32 s10, $0x31;
	s24 =	smov.u32 s10;
	s25 =	sshra.s32 s10, $0x1F  }
0x10: {  	s26 =	sshll.u32 s11, $0x3;
	s28 =	smov.u32 s11;
	s29 =	sshra.s32 s11, $0x1F  }
0x11: {  	s22 =	sadd.s32 s23, s22;
	s24 =	simm.s32 @!p1 $0x31;
	s25 =	sand.u32 s25, s10  }
0x12: {  	s23 =	sand.u32 $0xFFFF8000, s30;
	s27 =	sand.u32 $0xFFFFFC00, s26;
	p1 =	sgt.s32 s9, $0xB0  }
0x13: {  	s31 =	sand.u32 s29, s11;
	s29 =	sshll.u32 s9, $0x7;
	s30 =	sshra.s32 s9, $0x1F  }
0x14: {  	[tilespmem:s21+$0x2040 ss:$0x81] =	vst.msk $0xffff, v4;
	s24 =	ssub.s32 s24, s25;
	s23 =	sadd.s32 s27, s23;
	s27 =	smov.u32 s9  }
0x15: {  	[tilespmem:s21+$0x2850 ss:$0x81] =	vst.msk $0xffff, v3;
	s29 =	sand.u32 $0x380, s29;
	s25 =	sadd.s32 $0xFFFFFFCF, s24;
	s27 =	simm.s32 @!p1 $0xB0  }
0x16: {  	v5 =	vld [tilespmem:s20+$0xFFFFFFD0];
	[tilespmem:s21+$0x3060 ss:$0x81] =	vst.msk $0xffff, v2;
	p1 =	sgt.s32 s11, $0xF80;
	s23 =	sshrl.u32 s23, $0xC;
	s24 =	ssub.s32 $0x32, s24  }
0x17: {  	v58 =	vld [tilespmem:s20+$0xFFFFFFE0];
	[tilespmem:s21+$0x0 ss:$0x81] =	vst.msk $0xffff, v1;
	s28 =	simm.s32 @!p1 $0xF80;
	p1 =	sgt.s32 s25, $0x0;
	s21 =	smulhi.u32 $0xD79436, s23  }
0x18: {  	v59 =	vld [tilespmem:s20+$0xFFFFFFF0];
	s25 =	ssub.s32 s28, s31;
	s28 =	sand.u32 s30, s9;
	s24 =	simm.s32 @p1 $0x0  }
0x19: {  	v60 =	vld [tilespmem:s20+$0x0];
	s27 =	ssub.s32 s27, s28;
	s31 =	sadd.s32 $0xFFFFF080, s25;
	s25 =	ssub.s32 $0x1000, s25  }
0x1a: {  	v61 =	vld [tilespmem:s20+$0x10];
	[tilespmem:s22+$0x3870 ss:$0x81] =	vst.msk $0xffff, v0;
	s21 =	smul.u32 $0x130, s21;
	s28 =	sand.u32 $0x7, s11;
	p1 =	sgt.s32 s31, $0x7F  }
0x1b: {  	v62 =	vld [tilespmem:s20+$0x20];
	[tilespmem:s22+$0x810 ss:$0x81] =	vst.msk $0xffff, v5;
	s30 =	sadd.s32 $0xFFFFFF50, s27;
	s31 =	sand.u32 $0x78, s11;
	s25 =	simm.s32 @p1 $0x0  }
0x1c: {  	v63 =	vld [tilespmem:s20+$0xFFFFFFC0];
	[tilespmem:s22+$0x1020 ss:$0x81] =	vst.msk $0xffff, v58;
	p1 =	sgt.s32 s30, $0x7F;
	s30 =	sand.u32 $0xC00, s26;
	s24 =	smul.u32 s25, s24  }
0x1d: {  	[tilespmem:s22+$0x1830 ss:$0x81] =	vst.msk $0xffff, v59;
	s26 =	ssub.s32 $0x130, s27;
	s20 =	sor.u32 s31, s30;
	s31 =	smul.u32 $0x26000, s10  }
0x1e: {  	[tilespmem:s22+$0x2040 ss:$0x81] =	vst.msk $0xffff, v60;
	s21 =	ssub.s32 s23, s21;
	s26 =	simm.s32 @p1 $0x0;
	s20 =	sor.u32 s29, s20  }
0x1f: {  	[tilespmem:s22+$0x2850 ss:$0x81] =	vst.msk $0xffff, v61;
	s26 =	smul.u32 s26, s24;
	s20 =	sshrl.u32 s20, $0x3;
	s27 =	sadd.s32 s3, s31  }
0x20: {  	[tilespmem:s22+$0x3060 ss:$0x81] =	vst.msk $0xffff, v62;
	s21 =	sshll.u32 s21, $0x9;
	s29 =	sshll.u32 s28, $0x12;
	s20 =	sadd.s32 s20, s27  }
0x21: {  	[tilespmem:s22+$0x0 ss:$0x81] =	vst.msk $0xffff, v63;
	s31 =	sor.u32 $0x400, s29;
	s30 =	sand.u32 $0x3FFFFFFF, s26;
	s20 =	sadd.s32 s21, s20  }
0x22: {  	[hbm4b:s20+s31] =	stream.strided.scatter [tilespmem:s19], [sflag:$0x2], s30, s8, s31, $0x20;
	[tilespmem:$0x10100] =	vst v63  }
.LBB1_5:
0x23: {  	p1 =	slt.u32 s15, $0x2  }
0x24: {  	p2 =	sgt.s32 @!p1 s18, $0x31  }
0x25: {  	s19 =	smov.u32 s18;
	s20 =	sshra.s32 @!p1 s18, $0x1F;
	p2 =	por !p2, p1  }
0x26: {  	s18 =	sand.u32 @!p1 s20, s18;
	s19 =	simm.s32 @p2 $0x31  }
0x27: {  	p3 =	sgt.s32 @!p1 s16, $0xB0;
	s18 =	ssub.s32 @!p1 s19, s18  }
0x28: {  	p4 =	sgt.s32 @!p1 s17, $0xF80;
	s21 =	sshra.s32 @!p1 s17, $0x1F;
	s19 =	sadd.s32 @!p1 $0xFFFFFFCF, s18  }
0x29: {  	s20 =	smov.u32 s16;
	p2 =	sgt.s32 @!p1 s19, $0x0;
	s19 =	sshra.s32 @!p1 s16, $0x1F  }
0x2a: {  	p4 =	por !p4, p1;
	s16 =	sand.u32 @!p1 s19, s16;
	s19 =	smov.u32 s17  }
0x2b: {  	p3 =	por !p3, p1;
	s17 =	sand.u32 @!p1 s21, s17;
	s19 =	simm.s32 @p4 $0xF80  }
0x2c: {  	s20 =	simm.s32 @p3 $0xB0;
	s18 =	ssub.s32 @!p1 $0x32, s18;
	s17 =	ssub.s32 @!p1 s19, s17  }
0x2d: {  	p2 =	por !p2, p1;
	s16 =	ssub.s32 @!p1 s20, s16;
	s20 =	sadd.s32 @!p1 $0xFFFFF080, s17  }
0x2e: {  	s18 =	simm.s32 @!p2 $0x0;
	p3 =	sgt.s32 @!p1 s20, $0x7F  }
0x2f: {  	s19 =	sadd.s32 @!p1 $0xFFFFFF50, s16;
	s17 =	ssub.s32 @!p1 $0x1000, s17;
	p3 =	por !p3, p1  }
0x30: {  	p2 =	sgt.s32 @!p1 s19, $0x7F;
	s19 =	sadd.s32 $0x80, s12;
	s17 =	simm.s32 @!p3 $0x0  }
0x31: {  	p3 =	sgt.s32 s19, $0x12B;
	s17 =	smul.u32 @!p1 s17, s18;
	s18 =	simm.s32 $0x1  }
0x32: {  	s16 =	ssub.s32 @!p1 $0x130, s16;
	p2 =	por !p2, p1;
	s18 =	simm.s32 @!p3 $0x0  }
0x33: {  	s21 =	smov.u32 s14;
	s16 =	simm.s32 @!p2 $0x0;
	s20 =	sadd.s32 s18, s13  }
0x34: {  	s16 =	smul.u32 @!p1 s16, s17;
	s17 =	sadd.s32 $0x1000, s14;
	p2 =	sgt.s32 s20, $0x31  }
0x35: {  	p0 =	por !p0, !p0;
	s22 =	simm.s32 @!p1 $0x2;
	s21 =	smov.u32 @p2 s17  }
0x36: {  	s19 =	simm.s32 @p3 $0x0;
	s20 =	simm.s32 @p2 $0x0;
	p2 =	sgt.s32 s21, $0xFFF  }
0x37: {  	s18 =	smov.u32 s10;
	s21 =	smov.u32 @p2 s2;
	p2 =	sne.s32 s15, s7  }
.Ltmp1:
0x38: {  	s10 =	smov.u32 s13;
	s16 =	sand.u32 @!p1 $0x3FFFFFFF, s16;
	(pc) =	sbr.rel @!p2 .LBB1_6-.Ltmp1, $4  }
0x39: {  	s17 =	smov.u32 s11;
	s11 =	smov.u32 s14;
	_ =	swait.ge @!p1 [sflag:s22], s16  }
0x3a: {  	s23 =	ssub.s32 @!p1 $0x0, s16;
	s16 =	smov.u32 s9;
	s9 =	smov.u32 s12  }
0x3b: {  	s12 =	smov.u32 s19;
	s13 =	smov.u32 s20;
	[sflag:s22] =	ssyncset.done @!p1 $0x0  }
0x3c: {  	s15 =	sadd.s32 $0x1, s15;
	[sflag:s22] =	ssyncadd.s32 @!p1 s23;
	s14 =	smov.u32 s21  }
.LBB1_1:
0x3d: {  	p1 =	sge.u32 s15, s5  }
0x3e: {  	s19 =	sshrl.u32 @!p1 s13, $0x3  }
0x3f: {  	s20 =	sshll.u32 @!p1 s12, $0x3;
	s19 =	smul.u32 @!p1 $0xC00, s19  }
0x40: {  	s21 =	sshll.u32 @!p1 s13, $0x7;
	s20 =	sand.u32 @!p1 $0xFFFFFC00, s20  }
0x41: {  	s19 =	sadd.s32 @!p1 s19, s20;
	s20 =	sand.u32 @!p1 $0x380, s21  }
0x42: {  	s19 =	sor.u32 @!p1 s20, s19  }
0x43: {  	s20 =	sand.u32 @!p1 $0x7F, s12;
	s21 =	smulhi.u32 @!p1 $0xAAAAAAAB, s19  }
0x44: {  	s19 =	sor.u32 @!p1 s20, s19  }
0x45: {  	s20 =	smulhi.u32 @!p1 $0xAAAAAAAB, s19;
	s21 =	sshrl.u32 @!p1 s21, $0x8  }
0x46: {  	s22 =	smulhi.u32 @!p1 $0x4924925, s21;
	_ =	sdelay $0x1  }
0x47: {  	s20 =	sshrl.u32 @!p1 s20, $0x8;
	s22 =	smul.u32 @!p1 $0x38, s22  }
0x48: {  	s31 =	sadd.s32 $0xFFFFFFFF, s15;
	s20 =	smul.u32 @!p1 $0x180, s20  }
0x49: {  	s23 =	sxor.u32 @!p1 $0xFFFFFFFF, s15;
	s21 =	ssub.s32 @!p1 s21, s22;
	s22 =	smul.u32 @!p1 $0xA80, s14  }
0x4a: {  	s23 =	sshll.u32 @!p1 s23, $0xE;
	s19 =	ssub.s32 @!p1 s19, s20;
	s20 =	smul.u32 @!p1 $0x30, s21  }
0x4b: {  	s21 =	sand.u32 @!p1 $0x4000, s23;
	s23 =	sand.u32 @!p1 $0x7, s19;
	s22 =	sadd.s32 @!p1 s6, s22  }
0x4c: {  	s19 =	sshrl.u32 @!p1 s19, $0x3;
	s20 =	sadd.s32 @!p1 s20, s22;
	s22 =	sshll.u32 @!p1 s23, $0x12  }
0x4d: {  	s19 =	sadd.s32 @!p1 s19, s20;
	s20 =	sor.u32 @!p1 $0x80, s22;
	s22 =	simm.s32 @!p1 $0x5400  }
0x4e: {  	[tilespmem:s21], [sflag:$0x1] =	stream.strided.gather @!p1 [hbm4b:s19+s20], $0x4000, s22, s20, $0x38;
	[tilespmem:$0x10100] =	vst v63  }
0x4f: {  	p1 =	sge.u32 s31, s5  }
.Ltmp2:
0x50: {  	_ = 	snop;
	(pc) =	sbr.rel @p1 .LBB1_5-.Ltmp2, $1  }
0x51: {  	_ =	sdelay $0x3  }
0x52: {  	s19 =	simm.s32 $0x1  }
0x53: {  	_ =	swait.ge [sflag:s4], $0x4000;
	s19 =	simm.s32 @!p0 $0x0  }
0x54: {  	[sflag:s4] =	ssyncset.done $0x0;
	s20 =	sshll.u32 s19, $0xE  }
0x55: {  	[sflag:s4] =	ssyncadd.s32 $0xFFFFC000;
	s20 =	sor.u32 $0x40, s20  }
0x56: {  	s19 =	smul.u32 $0x10200, s19;
	v0 =	vld [tilespmem:s20+$0x30]  }
0x57: {  	v1 =	vld [tilespmem:s20+$0xFFFFFFD0]  }
0x58: {  	s19 =	sshrl.u32 s19, $0x2;
	v5 =	vld [tilespmem:s20+$0xFFFFFFE0]  }
0x59: {  	v6 =	vld [tilespmem:s20+$0xFFFFFFF0];
	s22 =	sor.u32 $0x8000, s19  }
0x5a: {  	s31 =	sand.u32 $0x1, s15;
	v4 =	vld [tilespmem:s20+$0x0];
	s21 =	sadd.s32 $0x0, s22  }
0x5b: {  	v3 =	vld [tilespmem:s20+$0x10];
	s19 =	smul.u32 $0x10200, s31;
	[tilespmem:s21+$0x3870 ss:$0x81] =	vst.msk $0xffff, v0  }
0x5c: {  	v2 =	vld [tilespmem:s20+$0x20];
	[tilespmem:s21+$0x810 ss:$0x81] =	vst.msk $0xffff, v1  }
0x5d: {  	s19 =	sshrl.u32 s19, $0x2;
	v1 =	vld [tilespmem:s20+$0xFFFFFFC0];
	[tilespmem:s21+$0x1020 ss:$0x81] =	vst.msk $0xffff, v5;
	s20 =	sadd.s32 $0x80, s20  }
0x5e: {  	s23 =	simm.s32 $0x4;
	s24 =	simm.s32 $0x8;
	s19 =	sor.u32 $0x8000, s19;
	[tilespmem:s21+$0x1830 ss:$0x81] =	vst.msk $0xffff, v6;
	v0 =	vld [tilespmem:s20+$0x30]  }
.LBB1_3:
0x5f: {  	p1 =	sne.s32 s24, $0x1FC;
	v5 =	vld [tilespmem:s20+$0xFFFFFFD0];
	[tilespmem:s21+$0x2040 ss:$0x81] =	vst.msk $0xffff, v4  }
0x60: {  	v6 =	vld [tilespmem:s20+$0xFFFFFFE0];
	[tilespmem:s21+$0x2850 ss:$0x81] =	vst.msk $0xffff, v3  }
0x61: {  	s25 =	sshra.s32 s23, $0x2;
	s23 =	smov.u32 s24;
	v7 =	vld [tilespmem:s20+$0xFFFFFFF0];
	[tilespmem:s21+$0x3060 ss:$0x81] =	vst.msk $0xffff, v2  }
.Ltmp3:
0x62: {  	v4 =	vld [tilespmem:s20+$0x0];
	[tilespmem:s21+$0x0 ss:$0x81] =	vst.msk $0xffff, v1;
	s21 =	sadd.s32 s25, s22;
	(pc) =	sbr.rel @p1 .LBB1_3-.Ltmp3, $4  }
0x63: {  	v3 =	vld [tilespmem:s20+$0x10];
	[tilespmem:s21+$0x3870 ss:$0x81] =	vst.msk $0xffff, v0  }
0x64: {  	[tilespmem:s21+$0x810 ss:$0x81] =	vst.msk $0xffff, v5;
	v2 =	vld [tilespmem:s20+$0x20]  }
0x65: {  	v1 =	vld [tilespmem:s20+$0xFFFFFFC0];
	[tilespmem:s21+$0x1020 ss:$0x81] =	vst.msk $0xffff, v6;
	s20 =	sadd.s32 $0x80, s20  }
0x66: {  	s24 =	sadd.s32 $0x4, s24;
	v0 =	vld [tilespmem:s20+$0x30];
	[tilespmem:s21+$0x1830 ss:$0x81] =	vst.msk $0xffff, v7  }
.Ltmp4:
0x67: {  	_ = 	snop;
	(pc) =	sbr.rel .LBB1_4-.Ltmp4, $1  }
0x68: {  	_ =	sdelay $0x3  }
.LBB1_6:
0x69: {  	_ =	sfence.sel $0x180000  }
0x6a: {  	s2 =	simm.s32 $0x1;
	[bflag:$0x0] =	sbarrier.arrive $0xFFFF  }
0x6b: {  	s31 =	simm.s32 $0x2;
	[sflag:s2] =	ssyncpa.u1 $0x1  }
0x6c: {  	[sflag:s31] =	ssyncpa.u1 $0x1  }
0x6d: {  	p0 =	sne.s32 s0, $0x0;
	_ =	strace $0x9000004A  }
0x6e: {  	s0 =	sadd.s32 @!p0 $0x100000, s1;
	[bflag:$0x2] =	sbarrier.arrive $0xFFFF  }
0x6f: {  	[sflag:s0] =	ssyncadd.tile.s32 @!p0 $0x1;
	_ =	shalt  }
.Lfunc_end1:
_tile_overlayer_lowered:
.L_overlay_start_2:
0x70: {  	(tag) =	ssettag $0x2  }
0x71: {  	s0 =	rddreg [dreg:$0x0];
	s2 =	stileid.u32  }
0x72: {  	s1 =	rddreg [dreg:$0x1];
	p0 =	sne.s32 s2, $0x0  }
0x73: {  	s3 =	rddreg [dreg:$0x2];
	[bflag:$0x3] =	sbarrier.arrive $0xFFFF;
	s2 =	simm.s32 @!p0 $0x1C01  }
0x74: {  	[timem:s3], [sflag:s2] =	dma.local @!p0 [hbm:s0], s1  }
0x75: {  	s0 =	simm.s32 @!p0 $0x1  }
0x76: {  	_ =	swait.ge @!p0 [sflag:s0], s1  }
0x77: {  	s1 =	ssub.s32 @!p0 $0x0, s1;
	[sflag:s0] =	ssyncset.done @!p0 $0x0  }
0x78: {  	[sflag:s0] =	ssyncadd.s32 @!p0 s1  }
0x79: {  	[bflag:$0x3] =	sbarrier.arrive $0xFFFF  }
0x7a: {  	_ =	shalt  }

</sc_bundles>
